<compile_context>
chip_gen: v7x
topology: tpu7x:2x2x1
jax: 0.10.2.dev20260603
libtpu: 0.0.44.dev20260713+nightly
codegen_flags: <defaults>
</compile_context>

<pallas_src>
import jax
import jax.numpy as jnp
from jax import lax
from jax.experimental import pallas as pl
from jax.experimental.pallas import tpu as pltpu
from jax.experimental.pallas import tpu_sc as plsc


def _tc_argmin_body(x_ref, w_ref, o_ref):
    xb = x_ref[0]
    w = w_ref[...]
    e2 = jnp.sum(w * w, axis=0)[:, None]
    mm = lax.dot_general(w * -2.0, xb, (((0,), (0,)), ((), ())),
                         preferred_element_type=jnp.float32)
    m = e2 + mm
    idx = jnp.argmin(m, axis=0)
    o_ref[0, 0] = idx.astype(jnp.int32)


def _tc_argmin(xr, weight, nb, off):
    B, d, HW = xr.shape
    K = weight.shape[1]
    out = pl.pallas_call(
        _tc_argmin_body,
        grid=(nb,),
        in_specs=[
            pl.BlockSpec((1, d, HW), lambda i: (i + off, 0, 0)),
            pl.BlockSpec((d, K), lambda i: (0, 0)),
        ],
        out_specs=pl.BlockSpec((1, 1, HW), lambda i: (i, 0, 0)),
        out_shape=jax.ShapeDtypeStruct((nb, 1, HW), jnp.int32),
    )(xr, weight)
    return out.reshape(nb, HW)


def _make_sc_gather(nb, d, K, HW):
    wpb = 32 // nb
    dr = d // wpb

    def body(w_hbm, idx_hbm, out_hbm, w_v, idx_v, out_v):
        info = plsc.get_sparse_core_info()
        nc = info.num_cores
        wid = lax.axis_index("s") * nc + lax.axis_index("c")
        b = wid // wpb
        d0 = (wid % wpb) * dr
        pltpu.sync_copy(idx_hbm.at[b], idx_v)
        pltpu.sync_copy(w_hbm.at[pl.ds(d0, dr)], w_v)

        @plsc.parallel_loop(0, HW // 16, unroll=8)
        def chunk(c):
            iv = idx_v[pl.ds(c * 16, 16)]
            for dl in range(dr):
                dv = jnp.full((16,), dl, jnp.int32)
                out_v[dl, pl.ds(c * 16, 16)] = plsc.load_gather(w_v, [dv, iv])
        pltpu.sync_copy(out_v, out_hbm.at[b, pl.ds(d0, dr)])

    return pl.kernel(
        body,
        out_type=jax.ShapeDtypeStruct((nb, d, HW), jnp.float32),
        mesh=plsc.VectorSubcoreMesh(core_axis_name="c", subcore_axis_name="s"),
        scratch_types=[
            pltpu.VMEM((dr, K), jnp.float32),
            pltpu.VMEM((HW,), jnp.int32),
            pltpu.VMEM((dr, HW), jnp.float32),
        ],
        compiler_params=pltpu.CompilerParams(
            use_tc_tiling_on_sc=False, needs_layout_passes=False),
    )


def kernel(x, weight):
    B, d, H, W = x.shape
    K = weight.shape[1]
    HW = H * W
    nchunk = 2
    nb = B // nchunk
    xr = x.reshape(B, d, HW)

    sc_gather = _make_sc_gather(nb, d, K, HW)
    qs, idxs = [], []
    for c in range(nchunk):
        idx_c = _tc_argmin(xr, weight, nb, c * nb)
        qs.append(sc_gather(weight, idx_c))
        idxs.append(idx_c)
    quant = jnp.concatenate(qs, axis=0)
    idx = jnp.concatenate(idxs, axis=0)

    return quant.reshape(B, d, H, W), idx.reshape(B, H, W)

# --- scband reference (transcript-rebuilt; emitter-appended) ---
"""Pipeline reference for scband-nearest-embed-60464549593490 (READ-ONLY COPY).

The authoritative reference and input builder live on the scoring server;
editing this copy changes nothing except your own understanding.
"""

import jax, jax.numpy as jnp
import numpy as np

NUM_EMB = 1024
EMB_DIM = 64


def setup_inputs(seed: int = 0):
    key = jax.random.key(seed)
    k1, k2 = jax.random.split(key)
    x = jax.random.normal(k1, (16, EMB_DIM, 32, 32), dtype=jnp.float32)
    # nn.Parameter(torch.rand(embeddings_dim, num_embeddings)) -> uniform [0,1)
    weight = jax.random.uniform(k2, (EMB_DIM, NUM_EMB), dtype=jnp.float32)
    return {"x": x, "weight": weight}


def reference(x, weight):
    # Faithful translation of NearestEmbedFunc.forward for 4D input
    B, d, H, W = x.shape
    K = weight.shape[1]
    # x.permute(0,2,3,1).view(B*H*W, d)
    xf = jnp.transpose(x, (0, 2, 3, 1)).reshape(B * H * W, d)
    # dist = ||x - emb||_2 along emb_dim; computed via expansion
    # (argmin-equivalent and numerically faithful: sqrt of squared distance)
    x2 = jnp.sum(xf * xf, axis=1, keepdims=True)          # (N, 1)
    e2 = jnp.sum(weight * weight, axis=0, keepdims=True)  # (1, K)
    sq = x2 - 2.0 * (xf @ weight) + e2                    # (N, K)
    dist = jnp.sqrt(jnp.maximum(sq, 0.0))
    argmin = jnp.argmin(dist, axis=1)                     # (N,)
    # result = emb.index_select(1, argmin).t() -> (N, d)
    result = jnp.take(weight, argmin, axis=1).T
    # view(B, H, W, d).permute(0,3,1,2)
    quant = jnp.transpose(result.reshape(B, H, W, d), (0, 3, 1, 2))
    return quant, argmin.reshape(B, H, W)

if __name__ == "__main__":
    import jax
    _d = setup_inputs()
    print(jax.jit(kernel)(*tuple(_d.values())))

</pallas_src>

<mosaic_0001>
#map = affine_map<(d0, d1) -> (0, 0)>
#map1 = affine_map<(d0, d1) -> (0, 0, 0)>
module attributes {stable_mosaic.version = 14 : i64} {
  func.func @body(%arg0: i32, %arg1: i32, %arg2: memref<64x1024xf32, #tpu.memory_space<hbm>>, %arg3: memref<8x1024xi32, #tpu.memory_space<hbm>>, %arg4: memref<8x64x1024xf32, #tpu.memory_space<hbm>>, %arg5: memref<16x1024xf32, #tpu.memory_space<vmem>>, %arg6: memref<1024xi32, #tpu.memory_space<vmem>>, %arg7: memref<16x1024xf32, #tpu.memory_space<vmem>>) attributes {dimension_semantics = [#tpu.dimension_semantics<core_parallel>, #tpu.dimension_semantics<subcore_parallel>], iteration_bounds = array<i64: 2, 16>, scalar_prefetch = 0 : i64, scratch_operands = 3 : i64, tpu.core_type = #tpu.core_type<sc_vector_subcore>, window_params = [{transform_indices = #map}, {transform_indices = #map}, {transform_indices = #map1}]} {
    %mul3A = arith.constant 2 : i32
    %mul3A_0 = arith.muli %arg1, %mul3A : i32
    %add3A = arith.addi %mul3A_0, %arg0 : i32
    %jit3A = arith.constant 4 : i32
    %div3A = arith.divsi %add3A, %jit3A : i32
    %sign3A = arith.constant 0 : i32
    %sign3A_1 = arith.cmpi sgt, %add3A, %sign3A : i32
    %sign3A_2 = arith.extui %sign3A_1 : i1 to i32
    %sign3A_3 = arith.constant 0 : i32
    %sign3A_4 = arith.cmpi slt, %add3A, %sign3A_3 : i32
    %sign3A_5 = arith.extui %sign3A_4 : i1 to i32
    %sign3A_6 = arith.subi %sign3A_2, %sign3A_5 : i32
    %sign3A_7 = arith.constant 0 : i32
    %sign3A_8 = arith.cmpi sgt, %jit3A, %sign3A_7 : i32
    %sign3A_9 = arith.extui %sign3A_8 : i1 to i32
    %sign3A_10 = arith.constant 0 : i32
    %sign3A_11 = arith.cmpi slt, %jit3A, %sign3A_10 : i32
    %sign3A_12 = arith.extui %sign3A_11 : i1 to i32
    %sign3A_13 = arith.subi %sign3A_9, %sign3A_12 : i32
    %ne3A = arith.cmpi ne, %sign3A_6, %sign3A_13 : i32
    %rem3A = arith.remsi %add3A, %jit3A : i32
    %ne3A_14 = arith.constant 0 : i32
    %ne3A_15 = arith.cmpi ne, %rem3A, %ne3A_14 : i32
    %and3A = arith.andi %ne3A, %ne3A_15 : i1
    %sub3A = arith.constant 1 : i32
    %sub3A_16 = arith.subi %div3A, %sub3A : i32
    %select_n3A = arith.select %and3A, %sub3A_16, %div3A : i32
    %jit3A_17 = arith.constant 4 : i32
    %eq3A = arith.constant 0 : i32
    %eq3A_18 = arith.cmpi eq, %jit3A_17, %eq3A : i32
    %jit3A_19 = arith.constant 1 : i32
    %select_n3A_20 = arith.select %eq3A_18, %jit3A_19, %jit3A_17 : i32
    %rem3A_21 = arith.remsi %add3A, %select_n3A_20 : i32
    %ne3A_22 = arith.constant 0 : i32
    %ne3A_23 = arith.cmpi ne, %rem3A_21, %ne3A_22 : i32
    %lt3A = arith.constant 0 : i32
    %lt3A_24 = arith.cmpi slt, %rem3A_21, %lt3A : i32
    %lt3A_25 = arith.constant 0 : i32
    %lt3A_26 = arith.cmpi slt, %select_n3A_20, %lt3A_25 : i32
    %ne3A_27 = arith.xori %lt3A_24, %lt3A_26 : i1
    %and3A_28 = arith.andi %ne3A_27, %ne3A_23 : i1
    %add3A_29 = arith.addi %rem3A_21, %select_n3A_20 : i32
    %select_n3A_30 = arith.select %and3A_28, %add3A_29, %rem3A_21 : i32
    %mul3A_31 = arith.constant 16 : i32
    %mul3A_32 = arith.muli %select_n3A_30, %mul3A_31 : i32
    "tpu.region"() ({
      %run_scoped3A = tpu.sem_alloc : memref<!tpu.dma_semaphore, #tpu.memory_space<semaphore_mem>>
      %dma_start3A = arith.constant 0 : i32
      %dma_start3A_35 = tpu.memref_slice %arg3[%select_n3A, %dma_start3A] : memref<8x1024xi32, #tpu.memory_space<hbm>> -> memref<1x1024xi32, #tpu.memory_space<hbm>>
      %dma_start3A_36 = tpu.memref_squeeze %dma_start3A_35 : memref<1x1024xi32, #tpu.memory_space<hbm>> -> memref<1024xi32, #tpu.memory_space<hbm>>
      %dma_start3A_37 = arith.constant 0 : i32
      %dma_start3A_38 = tpu.memref_slice %arg3[%select_n3A, %dma_start3A_37] : memref<8x1024xi32, #tpu.memory_space<hbm>> -> memref<1x1024xi32, #tpu.memory_space<hbm>>
      %dma_start3A_39 = tpu.memref_squeeze %dma_start3A_38 : memref<1x1024xi32, #tpu.memory_space<hbm>> -> memref<1024xi32, #tpu.memory_space<hbm>>
      tpu.enqueue_dma source(%dma_start3A_39 : memref<1024xi32, #tpu.memory_space<hbm>>) target(%arg6 : memref<1024xi32, #tpu.memory_space<vmem>>) target_semaphore(%run_scoped3A : memref<!tpu.dma_semaphore, #tpu.memory_space<semaphore_mem>>)
      %dma_wait3A = arith.constant 0 : i32
      %dma_wait3A_40 = tpu.memref_slice %arg3[%select_n3A, %dma_wait3A] : memref<8x1024xi32, #tpu.memory_space<hbm>> -> memref<1x1024xi32, #tpu.memory_space<hbm>>
      %dma_wait3A_41 = tpu.memref_squeeze %dma_wait3A_40 : memref<1x1024xi32, #tpu.memory_space<hbm>> -> memref<1024xi32, #tpu.memory_space<hbm>>
      %dma_wait3A_42 = arith.constant 0 : i32
      %dma_wait3A_43 = tpu.memref_slice %arg3[%select_n3A, %dma_wait3A_42] : memref<8x1024xi32, #tpu.memory_space<hbm>> -> memref<1x1024xi32, #tpu.memory_space<hbm>>
      %dma_wait3A_44 = tpu.memref_squeeze %dma_wait3A_43 : memref<1x1024xi32, #tpu.memory_space<hbm>> -> memref<1024xi32, #tpu.memory_space<hbm>>
      tpu.wait_dma2 semaphore(%run_scoped3A : memref<!tpu.dma_semaphore, #tpu.memory_space<semaphore_mem>>) src(%dma_wait3A_44 : memref<1024xi32, #tpu.memory_space<hbm>>) dst(%arg6 : memref<1024xi32, #tpu.memory_space<vmem>>)
      tpu.yield
    }) : () -> ()
    "tpu.region"() ({
      %run_scoped3A = tpu.sem_alloc : memref<!tpu.dma_semaphore, #tpu.memory_space<semaphore_mem>>
      %dma_start3A = arith.constant 0 : i32
      %dma_start3A_35 = tpu.memref_slice %arg2[%mul3A_32, %dma_start3A] : memref<64x1024xf32, #tpu.memory_space<hbm>> -> memref<16x1024xf32, #tpu.memory_space<hbm>>
      %dma_start3A_36 = arith.constant 0 : i32
      %dma_start3A_37 = tpu.memref_slice %arg2[%mul3A_32, %dma_start3A_36] : memref<64x1024xf32, #tpu.memory_space<hbm>> -> memref<16x1024xf32, #tpu.memory_space<hbm>>
      tpu.enqueue_dma source(%dma_start3A_37 : memref<16x1024xf32, #tpu.memory_space<hbm>>) target(%arg5 : memref<16x1024xf32, #tpu.memory_space<vmem>>) target_semaphore(%run_scoped3A : memref<!tpu.dma_semaphore, #tpu.memory_space<semaphore_mem>>)
      %dma_wait3A = arith.constant 0 : i32
      %dma_wait3A_38 = tpu.memref_slice %arg2[%mul3A_32, %dma_wait3A] : memref<64x1024xf32, #tpu.memory_space<hbm>> -> memref<16x1024xf32, #tpu.memory_space<hbm>>
      %dma_wait3A_39 = arith.constant 0 : i32
      %dma_wait3A_40 = tpu.memref_slice %arg2[%mul3A_32, %dma_wait3A_39] : memref<64x1024xf32, #tpu.memory_space<hbm>> -> memref<16x1024xf32, #tpu.memory_space<hbm>>
      tpu.wait_dma2 semaphore(%run_scoped3A : memref<!tpu.dma_semaphore, #tpu.memory_space<semaphore_mem>>) src(%dma_wait3A_40 : memref<16x1024xf32, #tpu.memory_space<hbm>>) dst(%arg5 : memref<16x1024xf32, #tpu.memory_space<vmem>>)
      tpu.yield
    }) : () -> ()
    %parallel_loop3A = arith.constant 0 : i32
    %parallel_loop3A_33 = arith.constant 64 : i32
    %parallel_loop3A_34 = arith.constant 1 : i32
    scf.for %parallel_loop3A_35 = %parallel_loop3A to %parallel_loop3A_33 step %parallel_loop3A_34  : i32 {
      %parallel_loop3A_36 = arith.constant 16 : i32
      %parallel_loop3A_37 = arith.muli %parallel_loop3A_35, %parallel_loop3A_36 : i32
      %parallel_loop3A_38 = arith.index_cast %parallel_loop3A_37 : i32 to index
      %parallel_loop3A_39 = tpu.vector_load %arg6[%parallel_loop3A_38] {strides = array<i32>} : memref<1024xi32, #tpu.memory_space<vmem>>, vector<16xi32>,
      %parallel_loop3A_40 = arith.constant 0 : i32
      %parallel_loop3A_41 = vector.broadcast %parallel_loop3A_40 : i32 to vector<16xi32>
      %parallel_loop3A_42 = tpu.vector_load_idx %arg5[%parallel_loop3A_41, %parallel_loop3A_39] : memref<16x1024xf32, #tpu.memory_space<vmem>>[vector<16xi32>, vector<16xi32>], vector<16xf32>,
      %parallel_loop3A_43 = arith.constant 16 : i32
      %parallel_loop3A_44 = arith.muli %parallel_loop3A_35, %parallel_loop3A_43 : i32
      %parallel_loop3A_45 = arith.constant 0 : i32
      %parallel_loop3A_46 = arith.index_cast %parallel_loop3A_45 : i32 to index
      %parallel_loop3A_47 = arith.index_cast %parallel_loop3A_44 : i32 to index
      %parallel_loop3A_48 = tpu.vector_load %arg7[%parallel_loop3A_46, %parallel_loop3A_47] {strides = array<i32>} : memref<16x1024xf32, #tpu.memory_space<vmem>>, vector<16xf32>,
      tpu.vector_store %arg7[%parallel_loop3A_46, %parallel_loop3A_47], %parallel_loop3A_42 {strides = array<i32>} : memref<16x1024xf32, #tpu.memory_space<vmem>>, vector<16xf32>,
      %parallel_loop3A_49 = arith.constant 1 : i32
      %parallel_loop3A_50 = vector.broadcast %parallel_loop3A_49 : i32 to vector<16xi32>
      %parallel_loop3A_51 = tpu.vector_load_idx %arg5[%parallel_loop3A_50, %parallel_loop3A_39] : memref<16x1024xf32, #tpu.memory_space<vmem>>[vector<16xi32>, vector<16xi32>], vector<16xf32>,
      %parallel_loop3A_52 = arith.constant 16 : i32
      %parallel_loop3A_53 = arith.muli %parallel_loop3A_35, %parallel_loop3A_52 : i32
      %parallel_loop3A_54 = arith.constant 1 : i32
      %parallel_loop3A_55 = arith.index_cast %parallel_loop3A_54 : i32 to index
      %parallel_loop3A_56 = arith.index_cast %parallel_loop3A_53 : i32 to index
      %parallel_loop3A_57 = tpu.vector_load %arg7[%parallel_loop3A_55, %parallel_loop3A_56] {strides = array<i32>} : memref<16x1024xf32, #tpu.memory_space<vmem>>, vector<16xf32>,
      tpu.vector_store %arg7[%parallel_loop3A_55, %parallel_loop3A_56], %parallel_loop3A_51 {strides = array<i32>} : memref<16x1024xf32, #tpu.memory_space<vmem>>, vector<16xf32>,
      %parallel_loop3A_58 = arith.constant 2 : i32
      %parallel_loop3A_59 = vector.broadcast %parallel_loop3A_58 : i32 to vector<16xi32>
      %parallel_loop3A_60 = tpu.vector_load_idx %arg5[%parallel_loop3A_59, %parallel_loop3A_39] : memref<16x1024xf32, #tpu.memory_space<vmem>>[vector<16xi32>, vector<16xi32>], vector<16xf32>,
      %parallel_loop3A_61 = arith.constant 16 : i32
      %parallel_loop3A_62 = arith.muli %parallel_loop3A_35, %parallel_loop3A_61 : i32
      %parallel_loop3A_63 = arith.constant 2 : i32
      %parallel_loop3A_64 = arith.index_cast %parallel_loop3A_63 : i32 to index
      %parallel_loop3A_65 = arith.index_cast %parallel_loop3A_62 : i32 to index
      %parallel_loop3A_66 = tpu.vector_load %arg7[%parallel_loop3A_64, %parallel_loop3A_65] {strides = array<i32>} : memref<16x1024xf32, #tpu.memory_space<vmem>>, vector<16xf32>,
      tpu.vector_store %arg7[%parallel_loop3A_64, %parallel_loop3A_65], %parallel_loop3A_60 {strides = array<i32>} : memref<16x1024xf32, #tpu.memory_space<vmem>>, vector<16xf32>,
      %parallel_loop3A_67 = arith.constant 3 : i32
      %parallel_loop3A_68 = vector.broadcast %parallel_loop3A_67 : i32 to vector<16xi32>
      %parallel_loop3A_69 = tpu.vector_load_idx %arg5[%parallel_loop3A_68, %parallel_loop3A_39] : memref<16x1024xf32, #tpu.memory_space<vmem>>[vector<16xi32>, vector<16xi32>], vector<16xf32>,
      %parallel_loop3A_70 = arith.constant 16 : i32
      %parallel_loop3A_71 = arith.muli %parallel_loop3A_35, %parallel_loop3A_70 : i32
      %parallel_loop3A_72 = arith.constant 3 : i32
      %parallel_loop3A_73 = arith.index_cast %parallel_loop3A_72 : i32 to index
      %parallel_loop3A_74 = arith.index_cast %parallel_loop3A_71 : i32 to index
      %parallel_loop3A_75 = tpu.vector_load %arg7[%parallel_loop3A_73, %parallel_loop3A_74] {strides = array<i32>} : memref<16x1024xf32, #tpu.memory_space<vmem>>, vector<16xf32>,
      tpu.vector_store %arg7[%parallel_loop3A_73, %parallel_loop3A_74], %parallel_loop3A_69 {strides = array<i32>} : memref<16x1024xf32, #tpu.memory_space<vmem>>, vector<16xf32>,
      %parallel_loop3A_76 = arith.constant 4 : i32
      %parallel_loop3A_77 = vector.broadcast %parallel_loop3A_76 : i32 to vector<16xi32>
      %parallel_loop3A_78 = tpu.vector_load_idx %arg5[%parallel_loop3A_77, %parallel_loop3A_39] : memref<16x1024xf32, #tpu.memory_space<vmem>>[vector<16xi32>, vector<16xi32>], vector<16xf32>,
      %parallel_loop3A_79 = arith.constant 16 : i32
      %parallel_loop3A_80 = arith.muli %parallel_loop3A_35, %parallel_loop3A_79 : i32
      %parallel_loop3A_81 = arith.constant 4 : i32
      %parallel_loop3A_82 = arith.index_cast %parallel_loop3A_81 : i32 to index
      %parallel_loop3A_83 = arith.index_cast %parallel_loop3A_80 : i32 to index
      %parallel_loop3A_84 = tpu.vector_load %arg7[%parallel_loop3A_82, %parallel_loop3A_83] {strides = array<i32>} : memref<16x1024xf32, #tpu.memory_space<vmem>>, vector<16xf32>,
      tpu.vector_store %arg7[%parallel_loop3A_82, %parallel_loop3A_83], %parallel_loop3A_78 {strides = array<i32>} : memref<16x1024xf32, #tpu.memory_space<vmem>>, vector<16xf32>,
      %parallel_loop3A_85 = arith.constant 5 : i32
      %parallel_loop3A_86 = vector.broadcast %parallel_loop3A_85 : i32 to vector<16xi32>
      %parallel_loop3A_87 = tpu.vector_load_idx %arg5[%parallel_loop3A_86, %parallel_loop3A_39] : memref<16x1024xf32, #tpu.memory_space<vmem>>[vector<16xi32>, vector<16xi32>], vector<16xf32>,
      %parallel_loop3A_88 = arith.constant 16 : i32
      %parallel_loop3A_89 = arith.muli %parallel_loop3A_35, %parallel_loop3A_88 : i32
      %parallel_loop3A_90 = arith.constant 5 : i32
      %parallel_loop3A_91 = arith.index_cast %parallel_loop3A_90 : i32 to index
      %parallel_loop3A_92 = arith.index_cast %parallel_loop3A_89 : i32 to index
      %parallel_loop3A_93 = tpu.vector_load %arg7[%parallel_loop3A_91, %parallel_loop3A_92] {strides = array<i32>} : memref<16x1024xf32, #tpu.memory_space<vmem>>, vector<16xf32>,
      tpu.vector_store %arg7[%parallel_loop3A_91, %parallel_loop3A_92], %parallel_loop3A_87 {strides = array<i32>} : memref<16x1024xf32, #tpu.memory_space<vmem>>, vector<16xf32>,
      %parallel_loop3A_94 = arith.constant 6 : i32
      %parallel_loop3A_95 = vector.broadcast %parallel_loop3A_94 : i32 to vector<16xi32>
      %parallel_loop3A_96 = tpu.vector_load_idx %arg5[%parallel_loop3A_95, %parallel_loop3A_39] : memref<16x1024xf32, #tpu.memory_space<vmem>>[vector<16xi32>, vector<16xi32>], vector<16xf32>,
      %parallel_loop3A_97 = arith.constant 16 : i32
      %parallel_loop3A_98 = arith.muli %parallel_loop3A_35, %parallel_loop3A_97 : i32
      %parallel_loop3A_99 = arith.constant 6 : i32
      %parallel_loop3A_100 = arith.index_cast %parallel_loop3A_99 : i32 to index
      %parallel_loop3A_101 = arith.index_cast %parallel_loop3A_98 : i32 to index
      %parallel_loop3A_102 = tpu.vector_load %arg7[%parallel_loop3A_100, %parallel_loop3A_101] {strides = array<i32>} : memref<16x1024xf32, #tpu.memory_space<vmem>>, vector<16xf32>,
      tpu.vector_store %arg7[%parallel_loop3A_100, %parallel_loop3A_101], %parallel_loop3A_96 {strides = array<i32>} : memref<16x1024xf32, #tpu.memory_space<vmem>>, vector<16xf32>,
      %parallel_loop3A_103 = arith.constant 7 : i32
      %parallel_loop3A_104 = vector.broadcast %parallel_loop3A_103 : i32 to vector<16xi32>
      %parallel_loop3A_105 = tpu.vector_load_idx %arg5[%parallel_loop3A_104, %parallel_loop3A_39] : memref<16x1024xf32, #tpu.memory_space<vmem>>[vector<16xi32>, vector<16xi32>], vector<16xf32>,
      %parallel_loop3A_106 = arith.constant 16 : i32
      %parallel_loop3A_107 = arith.muli %parallel_loop3A_35, %parallel_loop3A_106 : i32
      %parallel_loop3A_108 = arith.constant 7 : i32
      %parallel_loop3A_109 = arith.index_cast %parallel_loop3A_108 : i32 to index
      %parallel_loop3A_110 = arith.index_cast %parallel_loop3A_107 : i32 to index
      %parallel_loop3A_111 = tpu.vector_load %arg7[%parallel_loop3A_109, %parallel_loop3A_110] {strides = array<i32>} : memref<16x1024xf32, #tpu.memory_space<vmem>>, vector<16xf32>,
      tpu.vector_store %arg7[%parallel_loop3A_109, %parallel_loop3A_110], %parallel_loop3A_105 {strides = array<i32>} : memref<16x1024xf32, #tpu.memory_space<vmem>>, vector<16xf32>,
      %parallel_loop3A_112 = arith.constant 8 : i32
      %parallel_loop3A_113 = vector.broadcast %parallel_loop3A_112 : i32 to vector<16xi32>
      %parallel_loop3A_114 = tpu.vector_load_idx %arg5[%parallel_loop3A_113, %parallel_loop3A_39] : memref<16x1024xf32, #tpu.memory_space<vmem>>[vector<16xi32>, vector<16xi32>], vector<16xf32>,
      %parallel_loop3A_115 = arith.constant 16 : i32
      %parallel_loop3A_116 = arith.muli %parallel_loop3A_35, %parallel_loop3A_115 : i32
      %parallel_loop3A_117 = arith.constant 8 : i32
      %parallel_loop3A_118 = arith.index_cast %parallel_loop3A_117 : i32 to index
      %parallel_loop3A_119 = arith.index_cast %parallel_loop3A_116 : i32 to index
      %parallel_loop3A_120 = tpu.vector_load %arg7[%parallel_loop3A_118, %parallel_loop3A_119] {strides = array<i32>} : memref<16x1024xf32, #tpu.memory_space<vmem>>, vector<16xf32>,
      tpu.vector_store %arg7[%parallel_loop3A_118, %parallel_loop3A_119], %parallel_loop3A_114 {strides = array<i32>} : memref<16x1024xf32, #tpu.memory_space<vmem>>, vector<16xf32>,
      %parallel_loop3A_121 = arith.constant 9 : i32
      %parallel_loop3A_122 = vector.broadcast %parallel_loop3A_121 : i32 to vector<16xi32>
      %parallel_loop3A_123 = tpu.vector_load_idx %arg5[%parallel_loop3A_122, %parallel_loop3A_39] : memref<16x1024xf32, #tpu.memory_space<vmem>>[vector<16xi32>, vector<16xi32>], vector<16xf32>,
      %parallel_loop3A_124 = arith.constant 16 : i32
      %parallel_loop3A_125 = arith.muli %parallel_loop3A_35, %parallel_loop3A_124 : i32
      %parallel_loop3A_126 = arith.constant 9 : i32
      %parallel_loop3A_127 = arith.index_cast %parallel_loop3A_126 : i32 to index
      %parallel_loop3A_128 = arith.index_cast %parallel_loop3A_125 : i32 to index
      %parallel_loop3A_129 = tpu.vector_load %arg7[%parallel_loop3A_127, %parallel_loop3A_128] {strides = array<i32>} : memref<16x1024xf32, #tpu.memory_space<vmem>>, vector<16xf32>,
      tpu.vector_store %arg7[%parallel_loop3A_127, %parallel_loop3A_128], %parallel_loop3A_123 {strides = array<i32>} : memref<16x1024xf32, #tpu.memory_space<vmem>>, vector<16xf32>,
      %parallel_loop3A_130 = arith.constant 10 : i32
      %parallel_loop3A_131 = vector.broadcast %parallel_loop3A_130 : i32 to vector<16xi32>
      %parallel_loop3A_132 = tpu.vector_load_idx %arg5[%parallel_loop3A_131, %parallel_loop3A_39] : memref<16x1024xf32, #tpu.memory_space<vmem>>[vector<16xi32>, vector<16xi32>], vector<16xf32>,
      %parallel_loop3A_133 = arith.constant 16 : i32
      %parallel_loop3A_134 = arith.muli %parallel_loop3A_35, %parallel_loop3A_133 : i32
      %parallel_loop3A_135 = arith.constant 10 : i32
      %parallel_loop3A_136 = arith.index_cast %parallel_loop3A_135 : i32 to index
      %parallel_loop3A_137 = arith.index_cast %parallel_loop3A_134 : i32 to index
      %parallel_loop3A_138 = tpu.vector_load %arg7[%parallel_loop3A_136, %parallel_loop3A_137] {strides = array<i32>} : memref<16x1024xf32, #tpu.memory_space<vmem>>, vector<16xf32>,
      tpu.vector_store %arg7[%parallel_loop3A_136, %parallel_loop3A_137], %parallel_loop3A_132 {strides = array<i32>} : memref<16x1024xf32, #tpu.memory_space<vmem>>, vector<16xf32>,
      %parallel_loop3A_139 = arith.constant 11 : i32
      %parallel_loop3A_140 = vector.broadcast %parallel_loop3A_139 : i32 to vector<16xi32>
      %parallel_loop3A_141 = tpu.vector_load_idx %arg5[%parallel_loop3A_140, %parallel_loop3A_39] : memref<16x1024xf32, #tpu.memory_space<vmem>>[vector<16xi32>, vector<16xi32>], vector<16xf32>,
      %parallel_loop3A_142 = arith.constant 16 : i32
      %parallel_loop3A_143 = arith.muli %parallel_loop3A_35, %parallel_loop3A_142 : i32
      %parallel_loop3A_144 = arith.constant 11 : i32
      %parallel_loop3A_145 = arith.index_cast %parallel_loop3A_144 : i32 to index
      %parallel_loop3A_146 = arith.index_cast %parallel_loop3A_143 : i32 to index
      %parallel_loop3A_147 = tpu.vector_load %arg7[%parallel_loop3A_145, %parallel_loop3A_146] {strides = array<i32>} : memref<16x1024xf32, #tpu.memory_space<vmem>>, vector<16xf32>,
      tpu.vector_store %arg7[%parallel_loop3A_145, %parallel_loop3A_146], %parallel_loop3A_141 {strides = array<i32>} : memref<16x1024xf32, #tpu.memory_space<vmem>>, vector<16xf32>,
      %parallel_loop3A_148 = arith.constant 12 : i32
      %parallel_loop3A_149 = vector.broadcast %parallel_loop3A_148 : i32 to vector<16xi32>
      %parallel_loop3A_150 = tpu.vector_load_idx %arg5[%parallel_loop3A_149, %parallel_loop3A_39] : memref<16x1024xf32, #tpu.memory_space<vmem>>[vector<16xi32>, vector<16xi32>], vector<16xf32>,
      %parallel_loop3A_151 = arith.constant 16 : i32
      %parallel_loop3A_152 = arith.muli %parallel_loop3A_35, %parallel_loop3A_151 : i32
      %parallel_loop3A_153 = arith.constant 12 : i32
      %parallel_loop3A_154 = arith.index_cast %parallel_loop3A_153 : i32 to index
      %parallel_loop3A_155 = arith.index_cast %parallel_loop3A_152 : i32 to index
      %parallel_loop3A_156 = tpu.vector_load %arg7[%parallel_loop3A_154, %parallel_loop3A_155] {strides = array<i32>} : memref<16x1024xf32, #tpu.memory_space<vmem>>, vector<16xf32>,
      tpu.vector_store %arg7[%parallel_loop3A_154, %parallel_loop3A_155], %parallel_loop3A_150 {strides = array<i32>} : memref<16x1024xf32, #tpu.memory_space<vmem>>, vector<16xf32>,
      %parallel_loop3A_157 = arith.constant 13 : i32
      %parallel_loop3A_158 = vector.broadcast %parallel_loop3A_157 : i32 to vector<16xi32>
      %parallel_loop3A_159 = tpu.vector_load_idx %arg5[%parallel_loop3A_158, %parallel_loop3A_39] : memref<16x1024xf32, #tpu.memory_space<vmem>>[vector<16xi32>, vector<16xi32>], vector<16xf32>,
      %parallel_loop3A_160 = arith.constant 16 : i32
      %parallel_loop3A_161 = arith.muli %parallel_loop3A_35, %parallel_loop3A_160 : i32
      %parallel_loop3A_162 = arith.constant 13 : i32
      %parallel_loop3A_163 = arith.index_cast %parallel_loop3A_162 : i32 to index
      %parallel_loop3A_164 = arith.index_cast %parallel_loop3A_161 : i32 to index
      %parallel_loop3A_165 = tpu.vector_load %arg7[%parallel_loop3A_163, %parallel_loop3A_164] {strides = array<i32>} : memref<16x1024xf32, #tpu.memory_space<vmem>>, vector<16xf32>,
      tpu.vector_store %arg7[%parallel_loop3A_163, %parallel_loop3A_164], %parallel_loop3A_159 {strides = array<i32>} : memref<16x1024xf32, #tpu.memory_space<vmem>>, vector<16xf32>,
      %parallel_loop3A_166 = arith.constant 14 : i32
      %parallel_loop3A_167 = vector.broadcast %parallel_loop3A_166 : i32 to vector<16xi32>
      %parallel_loop3A_168 = tpu.vector_load_idx %arg5[%parallel_loop3A_167, %parallel_loop3A_39] : memref<16x1024xf32, #tpu.memory_space<vmem>>[vector<16xi32>, vector<16xi32>], vector<16xf32>,
      %parallel_loop3A_169 = arith.constant 16 : i32
      %parallel_loop3A_170 = arith.muli %parallel_loop3A_35, %parallel_loop3A_169 : i32
      %parallel_loop3A_171 = arith.constant 14 : i32
      %parallel_loop3A_172 = arith.index_cast %parallel_loop3A_171 : i32 to index
      %parallel_loop3A_173 = arith.index_cast %parallel_loop3A_170 : i32 to index
      %parallel_loop3A_174 = tpu.vector_load %arg7[%parallel_loop3A_172, %parallel_loop3A_173] {strides = array<i32>} : memref<16x1024xf32, #tpu.memory_space<vmem>>, vector<16xf32>,
      tpu.vector_store %arg7[%parallel_loop3A_172, %parallel_loop3A_173], %parallel_loop3A_168 {strides = array<i32>} : memref<16x1024xf32, #tpu.memory_space<vmem>>, vector<16xf32>,
      %parallel_loop3A_175 = arith.constant 15 : i32
      %parallel_loop3A_176 = vector.broadcast %parallel_loop3A_175 : i32 to vector<16xi32>
      %parallel_loop3A_177 = tpu.vector_load_idx %arg5[%parallel_loop3A_176, %parallel_loop3A_39] : memref<16x1024xf32, #tpu.memory_space<vmem>>[vector<16xi32>, vector<16xi32>], vector<16xf32>,
      %parallel_loop3A_178 = arith.constant 16 : i32
      %parallel_loop3A_179 = arith.muli %parallel_loop3A_35, %parallel_loop3A_178 : i32
      %parallel_loop3A_180 = arith.constant 15 : i32
      %parallel_loop3A_181 = arith.index_cast %parallel_loop3A_180 : i32 to index
      %parallel_loop3A_182 = arith.index_cast %parallel_loop3A_179 : i32 to index
      %parallel_loop3A_183 = tpu.vector_load %arg7[%parallel_loop3A_181, %parallel_loop3A_182] {strides = array<i32>} : memref<16x1024xf32, #tpu.memory_space<vmem>>, vector<16xf32>,
      tpu.vector_store %arg7[%parallel_loop3A_181, %parallel_loop3A_182], %parallel_loop3A_177 {strides = array<i32>} : memref<16x1024xf32, #tpu.memory_space<vmem>>, vector<16xf32>,
    } {sc.loop_unroll_factor = 8 : i64, sc.parallel_access}
    "tpu.region"() ({
      %run_scoped3A = tpu.sem_alloc : memref<!tpu.dma_semaphore, #tpu.memory_space<semaphore_mem>>
      %dma_start3A = arith.constant 0 : i32
      %dma_start3A_35 = tpu.memref_slice %arg4[%select_n3A, %mul3A_32, %dma_start3A] : memref<8x64x1024xf32, #tpu.memory_space<hbm>> -> memref<1x16x1024xf32, #tpu.memory_space<hbm>>
      %dma_start3A_36 = tpu.memref_squeeze %dma_start3A_35 : memref<1x16x1024xf32, #tpu.memory_space<hbm>> -> memref<16x1024xf32, #tpu.memory_space<hbm>>
      %dma_start3A_37 = arith.constant 0 : i32
      %dma_start3A_38 = tpu.memref_slice %arg4[%select_n3A, %mul3A_32, %dma_start3A_37] : memref<8x64x1024xf32, #tpu.memory_space<hbm>> -> memref<1x16x1024xf32, #tpu.memory_space<hbm>>
      %dma_start3A_39 = tpu.memref_squeeze %dma_start3A_38 : memref<1x16x1024xf32, #tpu.memory_space<hbm>> -> memref<16x1024xf32, #tpu.memory_space<hbm>>
      tpu.enqueue_dma source(%arg7 : memref<16x1024xf32, #tpu.memory_space<vmem>>) target(%dma_start3A_39 : memref<16x1024xf32, #tpu.memory_space<hbm>>) target_semaphore(%run_scoped3A : memref<!tpu.dma_semaphore, #tpu.memory_space<semaphore_mem>>)
      %dma_wait3A = arith.constant 0 : i32
      %dma_wait3A_40 = tpu.memref_slice %arg4[%select_n3A, %mul3A_32, %dma_wait3A] : memref<8x64x1024xf32, #tpu.memory_space<hbm>> -> memref<1x16x1024xf32, #tpu.memory_space<hbm>>
      %dma_wait3A_41 = tpu.memref_squeeze %dma_wait3A_40 : memref<1x16x1024xf32, #tpu.memory_space<hbm>> -> memref<16x1024xf32, #tpu.memory_space<hbm>>
      %dma_wait3A_42 = arith.constant 0 : i32
      %dma_wait3A_43 = tpu.memref_slice %arg4[%select_n3A, %mul3A_32, %dma_wait3A_42] : memref<8x64x1024xf32, #tpu.memory_space<hbm>> -> memref<1x16x1024xf32, #tpu.memory_space<hbm>>
      %dma_wait3A_44 = tpu.memref_squeeze %dma_wait3A_43 : memref<1x16x1024xf32, #tpu.memory_space<hbm>> -> memref<16x1024xf32, #tpu.memory_space<hbm>>
      tpu.wait_dma2 semaphore(%run_scoped3A : memref<!tpu.dma_semaphore, #tpu.memory_space<semaphore_mem>>) src(%arg7 : memref<16x1024xf32, #tpu.memory_space<vmem>>) dst(%dma_wait3A_44 : memref<16x1024xf32, #tpu.memory_space<hbm>>)
      tpu.yield
    }) : () -> ()
    return
  }
}

#map = affine_map<(d0, d1) -> (0, 0)>
#map1 = affine_map<(d0, d1) -> (0, 0, 0)>
module attributes {stable_mosaic.version = 14 : i64} {
  func.func @body(%arg0: i32, %arg1: i32, %arg2: memref<64x1024xf32, #tpu.memory_space<hbm>>, %arg3: memref<8x1024xi32, #tpu.memory_space<hbm>>, %arg4: memref<8x64x1024xf32, #tpu.memory_space<hbm>>, %arg5: memref<16x1024xf32, #tpu.memory_space<vmem>>, %arg6: memref<1024xi32, #tpu.memory_space<vmem>>, %arg7: memref<16x1024xf32, #tpu.memory_space<vmem>>) attributes {dimension_semantics = [#tpu.dimension_semantics<core_parallel>, #tpu.dimension_semantics<subcore_parallel>], iteration_bounds = array<i64: 2, 16>, scalar_prefetch = 0 : i64, scratch_operands = 3 : i64, tpu.core_type = #tpu.core_type<sc_vector_subcore>, window_params = [{transform_indices = #map}, {transform_indices = #map}, {transform_indices = #map1}]} {
    %mul3A = arith.constant 2 : i32
    %mul3A_0 = arith.muli %arg1, %mul3A : i32
    %add3A = arith.addi %mul3A_0, %arg0 : i32
    %jit3A = arith.constant 4 : i32
    %div3A = arith.divsi %add3A, %jit3A : i32
    %sign3A = arith.constant 0 : i32
    %sign3A_1 = arith.cmpi sgt, %add3A, %sign3A : i32
    %sign3A_2 = arith.extui %sign3A_1 : i1 to i32
    %sign3A_3 = arith.constant 0 : i32
    %sign3A_4 = arith.cmpi slt, %add3A, %sign3A_3 : i32
    %sign3A_5 = arith.extui %sign3A_4 : i1 to i32
    %sign3A_6 = arith.subi %sign3A_2, %sign3A_5 : i32
    %sign3A_7 = arith.constant 0 : i32
    %sign3A_8 = arith.cmpi sgt, %jit3A, %sign3A_7 : i32
    %sign3A_9 = arith.extui %sign3A_8 : i1 to i32
    %sign3A_10 = arith.constant 0 : i32
    %sign3A_11 = arith.cmpi slt, %jit3A, %sign3A_10 : i32
    %sign3A_12 = arith.extui %sign3A_11 : i1 to i32
    %sign3A_13 = arith.subi %sign3A_9, %sign3A_12 : i32
    %ne3A = arith.cmpi ne, %sign3A_6, %sign3A_13 : i32
    %rem3A = arith.remsi %add3A, %jit3A : i32
    %ne3A_14 = arith.constant 0 : i32
    %ne3A_15 = arith.cmpi ne, %rem3A, %ne3A_14 : i32
    %and3A = arith.andi %ne3A, %ne3A_15 : i1
    %sub3A = arith.constant 1 : i32
    %sub3A_16 = arith.subi %div3A, %sub3A : i32
    %select_n3A = arith.select %and3A, %sub3A_16, %div3A : i32
    %jit3A_17 = arith.constant 4 : i32
    %eq3A = arith.constant 0 : i32
    %eq3A_18 = arith.cmpi eq, %jit3A_17, %eq3A : i32
    %jit3A_19 = arith.constant 1 : i32
    %select_n3A_20 = arith.select %eq3A_18, %jit3A_19, %jit3A_17 : i32
    %rem3A_21 = arith.remsi %add3A, %select_n3A_20 : i32
    %ne3A_22 = arith.constant 0 : i32
    %ne3A_23 = arith.cmpi ne, %rem3A_21, %ne3A_22 : i32
    %lt3A = arith.constant 0 : i32
    %lt3A_24 = arith.cmpi slt, %rem3A_21, %lt3A : i32
    %lt3A_25 = arith.constant 0 : i32
    %lt3A_26 = arith.cmpi slt, %select_n3A_20, %lt3A_25 : i32
    %ne3A_27 = arith.xori %lt3A_24, %lt3A_26 : i1
    %and3A_28 = arith.andi %ne3A_27, %ne3A_23 : i1
    %add3A_29 = arith.addi %rem3A_21, %select_n3A_20 : i32
    %select_n3A_30 = arith.select %and3A_28, %add3A_29, %rem3A_21 : i32
    %mul3A_31 = arith.constant 16 : i32
    %mul3A_32 = arith.muli %select_n3A_30, %mul3A_31 : i32
    "tpu.region"() ({
      %run_scoped3A = tpu.sem_alloc : memref<!tpu.dma_semaphore, #tpu.memory_space<semaphore_mem>>
      %dma_start3A = arith.constant 0 : i32
      %dma_start3A_35 = tpu.memref_slice %arg3[%select_n3A, %dma_start3A] : memref<8x1024xi32, #tpu.memory_space<hbm>> -> memref<1x1024xi32, #tpu.memory_space<hbm>>
      %dma_start3A_36 = tpu.memref_squeeze %dma_start3A_35 : memref<1x1024xi32, #tpu.memory_space<hbm>> -> memref<1024xi32, #tpu.memory_space<hbm>>
      %dma_start3A_37 = arith.constant 0 : i32
      %dma_start3A_38 = tpu.memref_slice %arg3[%select_n3A, %dma_start3A_37] : memref<8x1024xi32, #tpu.memory_space<hbm>> -> memref<1x1024xi32, #tpu.memory_space<hbm>>
      %dma_start3A_39 = tpu.memref_squeeze %dma_start3A_38 : memref<1x1024xi32, #tpu.memory_space<hbm>> -> memref<1024xi32, #tpu.memory_space<hbm>>
      tpu.enqueue_dma source(%dma_start3A_39 : memref<1024xi32, #tpu.memory_space<hbm>>) target(%arg6 : memref<1024xi32, #tpu.memory_space<vmem>>) target_semaphore(%run_scoped3A : memref<!tpu.dma_semaphore, #tpu.memory_space<semaphore_mem>>)
      %dma_wait3A = arith.constant 0 : i32
      %dma_wait3A_40 = tpu.memref_slice %arg3[%select_n3A, %dma_wait3A] : memref<8x1024xi32, #tpu.memory_space<hbm>> -> memref<1x1024xi32, #tpu.memory_space<hbm>>
      %dma_wait3A_41 = tpu.memref_squeeze %dma_wait3A_40 : memref<1x1024xi32, #tpu.memory_space<hbm>> -> memref<1024xi32, #tpu.memory_space<hbm>>
      %dma_wait3A_42 = arith.constant 0 : i32
      %dma_wait3A_43 = tpu.memref_slice %arg3[%select_n3A, %dma_wait3A_42] : memref<8x1024xi32, #tpu.memory_space<hbm>> -> memref<1x1024xi32, #tpu.memory_space<hbm>>
      %dma_wait3A_44 = tpu.memref_squeeze %dma_wait3A_43 : memref<1x1024xi32, #tpu.memory_space<hbm>> -> memref<1024xi32, #tpu.memory_space<hbm>>
      tpu.wait_dma2 semaphore(%run_scoped3A : memref<!tpu.dma_semaphore, #tpu.memory_space<semaphore_mem>>) src(%dma_wait3A_44 : memref<1024xi32, #tpu.memory_space<hbm>>) dst(%arg6 : memref<1024xi32, #tpu.memory_space<vmem>>)
      tpu.yield
    }) : () -> ()
    "tpu.region"() ({
      %run_scoped3A = tpu.sem_alloc : memref<!tpu.dma_semaphore, #tpu.memory_space<semaphore_mem>>
      %dma_start3A = arith.constant 0 : i32
      %dma_start3A_35 = tpu.memref_slice %arg2[%mul3A_32, %dma_start3A] : memref<64x1024xf32, #tpu.memory_space<hbm>> -> memref<16x1024xf32, #tpu.memory_space<hbm>>
      %dma_start3A_36 = arith.constant 0 : i32
      %dma_start3A_37 = tpu.memref_slice %arg2[%mul3A_32, %dma_start3A_36] : memref<64x1024xf32, #tpu.memory_space<hbm>> -> memref<16x1024xf32, #tpu.memory_space<hbm>>
      tpu.enqueue_dma source(%dma_start3A_37 : memref<16x1024xf32, #tpu.memory_space<hbm>>) target(%arg5 : memref<16x1024xf32, #tpu.memory_space<vmem>>) target_semaphore(%run_scoped3A : memref<!tpu.dma_semaphore, #tpu.memory_space<semaphore_mem>>)
      %dma_wait3A = arith.constant 0 : i32
      %dma_wait3A_38 = tpu.memref_slice %arg2[%mul3A_32, %dma_wait3A] : memref<64x1024xf32, #tpu.memory_space<hbm>> -> memref<16x1024xf32, #tpu.memory_space<hbm>>
      %dma_wait3A_39 = arith.constant 0 : i32
      %dma_wait3A_40 = tpu.memref_slice %arg2[%mul3A_32, %dma_wait3A_39] : memref<64x1024xf32, #tpu.memory_space<hbm>> -> memref<16x1024xf32, #tpu.memory_space<hbm>>
      tpu.wait_dma2 semaphore(%run_scoped3A : memref<!tpu.dma_semaphore, #tpu.memory_space<semaphore_mem>>) src(%dma_wait3A_40 : memref<16x1024xf32, #tpu.memory_space<hbm>>) dst(%arg5 : memref<16x1024xf32, #tpu.memory_space<vmem>>)
      tpu.yield
    }) : () -> ()
    %parallel_loop3A = arith.constant 0 : i32
    %parallel_loop3A_33 = arith.constant 64 : i32
    %parallel_loop3A_34 = arith.constant 1 : i32
    scf.for %parallel_loop3A_35 = %parallel_loop3A to %parallel_loop3A_33 step %parallel_loop3A_34  : i32 {
      %parallel_loop3A_36 = arith.constant 16 : i32
      %parallel_loop3A_37 = arith.muli %parallel_loop3A_35, %parallel_loop3A_36 : i32
      %parallel_loop3A_38 = arith.index_cast %parallel_loop3A_37 : i32 to index
      %parallel_loop3A_39 = tpu.vector_load %arg6[%parallel_loop3A_38] {strides = array<i32>} : memref<1024xi32, #tpu.memory_space<vmem>>, vector<16xi32>,
      %parallel_loop3A_40 = arith.constant 0 : i32
      %parallel_loop3A_41 = vector.broadcast %parallel_loop3A_40 : i32 to vector<16xi32>
      %parallel_loop3A_42 = tpu.vector_load_idx %arg5[%parallel_loop3A_41, %parallel_loop3A_39] : memref<16x1024xf32, #tpu.memory_space<vmem>>[vector<16xi32>, vector<16xi32>], vector<16xf32>,
      %parallel_loop3A_43 = arith.constant 16 : i32
      %parallel_loop3A_44 = arith.muli %parallel_loop3A_35, %parallel_loop3A_43 : i32
      %parallel_loop3A_45 = arith.constant 0 : i32
      %parallel_loop3A_46 = arith.index_cast %parallel_loop3A_45 : i32 to index
      %parallel_loop3A_47 = arith.index_cast %parallel_loop3A_44 : i32 to index
      %parallel_loop3A_48 = tpu.vector_load %arg7[%parallel_loop3A_46, %parallel_loop3A_47] {strides = array<i32>} : memref<16x1024xf32, #tpu.memory_space<vmem>>, vector<16xf32>,
      tpu.vector_store %arg7[%parallel_loop3A_46, %parallel_loop3A_47], %parallel_loop3A_42 {strides = array<i32>} : memref<16x1024xf32, #tpu.memory_space<vmem>>, vector<16xf32>,
      %parallel_loop3A_49 = arith.constant 1 : i32
      %parallel_loop3A_50 = vector.broadcast %parallel_loop3A_49 : i32 to vector<16xi32>
      %parallel_loop3A_51 = tpu.vector_load_idx %arg5[%parallel_loop3A_50, %parallel_loop3A_39] : memref<16x1024xf32, #tpu.memory_space<vmem>>[vector<16xi32>, vector<16xi32>], vector<16xf32>,
      %parallel_loop3A_52 = arith.constant 16 : i32
      %parallel_loop3A_53 = arith.muli %parallel_loop3A_35, %parallel_loop3A_52 : i32
      %parallel_loop3A_54 = arith.constant 1 : i32
      %parallel_loop3A_55 = arith.index_cast %parallel_loop3A_54 : i32 to index
      %parallel_loop3A_56 = arith.index_cast %parallel_loop3A_53 : i32 to index
      %parallel_loop3A_57 = tpu.vector_load %arg7[%parallel_loop3A_55, %parallel_loop3A_56] {strides = array<i32>} : memref<16x1024xf32, #tpu.memory_space<vmem>>, vector<16xf32>,
      tpu.vector_store %arg7[%parallel_loop3A_55, %parallel_loop3A_56], %parallel_loop3A_51 {strides = array<i32>} : memref<16x1024xf32, #tpu.memory_space<vmem>>, vector<16xf32>,
      %parallel_loop3A_58 = arith.constant 2 : i32
      %parallel_loop3A_59 = vector.broadcast %parallel_loop3A_58 : i32 to vector<16xi32>
      %parallel_loop3A_60 = tpu.vector_load_idx %arg5[%parallel_loop3A_59, %parallel_loop3A_39] : memref<16x1024xf32, #tpu.memory_space<vmem>>[vector<16xi32>, vector<16xi32>], vector<16xf32>,
      %parallel_loop3A_61 = arith.constant 16 : i32
      %parallel_loop3A_62 = arith.muli %parallel_loop3A_35, %parallel_loop3A_61 : i32
      %parallel_loop3A_63 = arith.constant 2 : i32
      %parallel_loop3A_64 = arith.index_cast %parallel_loop3A_63 : i32 to index
      %parallel_loop3A_65 = arith.index_cast %parallel_loop3A_62 : i32 to index
      %parallel_loop3A_66 = tpu.vector_load %arg7[%parallel_loop3A_64, %parallel_loop3A_65] {strides = array<i32>} : memref<16x1024xf32, #tpu.memory_space<vmem>>, vector<16xf32>,
      tpu.vector_store %arg7[%parallel_loop3A_64, %parallel_loop3A_65], %parallel_loop3A_60 {strides = array<i32>} : memref<16x1024xf32, #tpu.memory_space<vmem>>, vector<16xf32>,
      %parallel_loop3A_67 = arith.constant 3 : i32
      %parallel_loop3A_68 = vector.broadcast %parallel_loop3A_67 : i32 to vector<16xi32>
      %parallel_loop3A_69 = tpu.vector_load_idx %arg5[%parallel_loop3A_68, %parallel_loop3A_39] : memref<16x1024xf32, #tpu.memory_space<vmem>>[vector<16xi32>, vector<16xi32>], vector<16xf32>,
      %parallel_loop3A_70 = arith.constant 16 : i32
      %parallel_loop3A_71 = arith.muli %parallel_loop3A_35, %parallel_loop3A_70 : i32
      %parallel_loop3A_72 = arith.constant 3 : i32
      %parallel_loop3A_73 = arith.index_cast %parallel_loop3A_72 : i32 to index
      %parallel_loop3A_74 = arith.index_cast %parallel_loop3A_71 : i32 to index
      %parallel_loop3A_75 = tpu.vector_load %arg7[%parallel_loop3A_73, %parallel_loop3A_74] {strides = array<i32>} : memref<16x1024xf32, #tpu.memory_space<vmem>>, vector<16xf32>,
      tpu.vector_store %arg7[%parallel_loop3A_73, %parallel_loop3A_74], %parallel_loop3A_69 {strides = array<i32>} : memref<16x1024xf32, #tpu.memory_space<vmem>>, vector<16xf32>,
      %parallel_loop3A_76 = arith.constant 4 : i32
      %parallel_loop3A_77 = vector.broadcast %parallel_loop3A_76 : i32 to vector<16xi32>
      %parallel_loop3A_78 = tpu.vector_load_idx %arg5[%parallel_loop3A_77, %parallel_loop3A_39] : memref<16x1024xf32, #tpu.memory_space<vmem>>[vector<16xi32>, vector<16xi32>], vector<16xf32>,
      %parallel_loop3A_79 = arith.constant 16 : i32
      %parallel_loop3A_80 = arith.muli %parallel_loop3A_35, %parallel_loop3A_79 : i32
      %parallel_loop3A_81 = arith.constant 4 : i32
      %parallel_loop3A_82 = arith.index_cast %parallel_loop3A_81 : i32 to index
      %parallel_loop3A_83 = arith.index_cast %parallel_loop3A_80 : i32 to index
      %parallel_loop3A_84 = tpu.vector_load %arg7[%parallel_loop3A_82, %parallel_loop3A_83] {strides = array<i32>} : memref<16x1024xf32, #tpu.memory_space<vmem>>, vector<16xf32>,
      tpu.vector_store %arg7[%parallel_loop3A_82, %parallel_loop3A_83], %parallel_loop3A_78 {strides = array<i32>} : memref<16x1024xf32, #tpu.memory_space<vmem>>, vector<16xf32>,
      %parallel_loop3A_85 = arith.constant 5 : i32
      %parallel_loop3A_86 = vector.broadcast %parallel_loop3A_85 : i32 to vector<16xi32>
      %parallel_loop3A_87 = tpu.vector_load_idx %arg5[%parallel_loop3A_86, %parallel_loop3A_39] : memref<16x1024xf32, #tpu.memory_space<vmem>>[vector<16xi32>, vector<16xi32>], vector<16xf32>,
      %parallel_loop3A_88 = arith.constant 16 : i32
      %parallel_loop3A_89 = arith.muli %parallel_loop3A_35, %parallel_loop3A_88 : i32
      %parallel_loop3A_90 = arith.constant 5 : i32
      %parallel_loop3A_91 = arith.index_cast %parallel_loop3A_90 : i32 to index
      %parallel_loop3A_92 = arith.index_cast %parallel_loop3A_89 : i32 to index
      %parallel_loop3A_93 = tpu.vector_load %arg7[%parallel_loop3A_91, %parallel_loop3A_92] {strides = array<i32>} : memref<16x1024xf32, #tpu.memory_space<vmem>>, vector<16xf32>,
      tpu.vector_store %arg7[%parallel_loop3A_91, %parallel_loop3A_92], %parallel_loop3A_87 {strides = array<i32>} : memref<16x1024xf32, #tpu.memory_space<vmem>>, vector<16xf32>,
      %parallel_loop3A_94 = arith.constant 6 : i32
      %parallel_loop3A_95 = vector.broadcast %parallel_loop3A_94 : i32 to vector<16xi32>
      %parallel_loop3A_96 = tpu.vector_load_idx %arg5[%parallel_loop3A_95, %parallel_loop3A_39] : memref<16x1024xf32, #tpu.memory_space<vmem>>[vector<16xi32>, vector<16xi32>], vector<16xf32>,
      %parallel_loop3A_97 = arith.constant 16 : i32
      %parallel_loop3A_98 = arith.muli %parallel_loop3A_35, %parallel_loop3A_97 : i32
      %parallel_loop3A_99 = arith.constant 6 : i32
      %parallel_loop3A_100 = arith.index_cast %parallel_loop3A_99 : i32 to index
      %parallel_loop3A_101 = arith.index_cast %parallel_loop3A_98 : i32 to index
      %parallel_loop3A_102 = tpu.vector_load %arg7[%parallel_loop3A_100, %parallel_loop3A_101] {strides = array<i32>} : memref<16x1024xf32, #tpu.memory_space<vmem>>, vector<16xf32>,
      tpu.vector_store %arg7[%parallel_loop3A_100, %parallel_loop3A_101], %parallel_loop3A_96 {strides = array<i32>} : memref<16x1024xf32, #tpu.memory_space<vmem>>, vector<16xf32>,
      %parallel_loop3A_103 = arith.constant 7 : i32
      %parallel_loop3A_104 = vector.broadcast %parallel_loop3A_103 : i32 to vector<16xi32>
      %parallel_loop3A_105 = tpu.vector_load_idx %arg5[%parallel_loop3A_104, %parallel_loop3A_39] : memref<16x1024xf32, #tpu.memory_space<vmem>>[vector<16xi32>, vector<16xi32>], vector<16xf32>,
      %parallel_loop3A_106 = arith.constant 16 : i32
      %parallel_loop3A_107 = arith.muli %parallel_loop3A_35, %parallel_loop3A_106 : i32
      %parallel_loop3A_108 = arith.constant 7 : i32
      %parallel_loop3A_109 = arith.index_cast %parallel_loop3A_108 : i32 to index
      %parallel_loop3A_110 = arith.index_cast %parallel_loop3A_107 : i32 to index
      %parallel_loop3A_111 = tpu.vector_load %arg7[%parallel_loop3A_109, %parallel_loop3A_110] {strides = array<i32>} : memref<16x1024xf32, #tpu.memory_space<vmem>>, vector<16xf32>,
      tpu.vector_store %arg7[%parallel_loop3A_109, %parallel_loop3A_110], %parallel_loop3A_105 {strides = array<i32>} : memref<16x1024xf32, #tpu.memory_space<vmem>>, vector<16xf32>,
      %parallel_loop3A_112 = arith.constant 8 : i32
      %parallel_loop3A_113 = vector.broadcast %parallel_loop3A_112 : i32 to vector<16xi32>
      %parallel_loop3A_114 = tpu.vector_load_idx %arg5[%parallel_loop3A_113, %parallel_loop3A_39] : memref<16x1024xf32, #tpu.memory_space<vmem>>[vector<16xi32>, vector<16xi32>], vector<16xf32>,
      %parallel_loop3A_115 = arith.constant 16 : i32
      %parallel_loop3A_116 = arith.muli %parallel_loop3A_35, %parallel_loop3A_115 : i32
      %parallel_loop3A_117 = arith.constant 8 : i32
      %parallel_loop3A_118 = arith.index_cast %parallel_loop3A_117 : i32 to index
      %parallel_loop3A_119 = arith.index_cast %parallel_loop3A_116 : i32 to index
      %parallel_loop3A_120 = tpu.vector_load %arg7[%parallel_loop3A_118, %parallel_loop3A_119] {strides = array<i32>} : memref<16x1024xf32, #tpu.memory_space<vmem>>, vector<16xf32>,
      tpu.vector_store %arg7[%parallel_loop3A_118, %parallel_loop3A_119], %parallel_loop3A_114 {strides = array<i32>} : memref<16x1024xf32, #tpu.memory_space<vmem>>, vector<16xf32>,
      %parallel_loop3A_121 = arith.constant 9 : i32
      %parallel_loop3A_122 = vector.broadcast %parallel_loop3A_121 : i32 to vector<16xi32>
      %parallel_loop3A_123 = tpu.vector_load_idx %arg5[%parallel_loop3A_122, %parallel_loop3A_39] : memref<16x1024xf32, #tpu.memory_space<vmem>>[vector<16xi32>, vector<16xi32>], vector<16xf32>,
      %parallel_loop3A_124 = arith.constant 16 : i32
      %parallel_loop3A_125 = arith.muli %parallel_loop3A_35, %parallel_loop3A_124 : i32
      %parallel_loop3A_126 = arith.constant 9 : i32
      %parallel_loop3A_127 = arith.index_cast %parallel_loop3A_126 : i32 to index
      %parallel_loop3A_128 = arith.index_cast %parallel_loop3A_125 : i32 to index
      %parallel_loop3A_129 = tpu.vector_load %arg7[%parallel_loop3A_127, %parallel_loop3A_128] {strides = array<i32>} : memref<16x1024xf32, #tpu.memory_space<vmem>>, vector<16xf32>,
      tpu.vector_store %arg7[%parallel_loop3A_127, %parallel_loop3A_128], %parallel_loop3A_123 {strides = array<i32>} : memref<16x1024xf32, #tpu.memory_space<vmem>>, vector<16xf32>,
      %parallel_loop3A_130 = arith.constant 10 : i32
      %parallel_loop3A_131 = vector.broadcast %parallel_loop3A_130 : i32 to vector<16xi32>
      %parallel_loop3A_132 = tpu.vector_load_idx %arg5[%parallel_loop3A_131, %parallel_loop3A_39] : memref<16x1024xf32, #tpu.memory_space<vmem>>[vector<16xi32>, vector<16xi32>], vector<16xf32>,
      %parallel_loop3A_133 = arith.constant 16 : i32
      %parallel_loop3A_134 = arith.muli %parallel_loop3A_35, %parallel_loop3A_133 : i32
      %parallel_loop3A_135 = arith.constant 10 : i32
      %parallel_loop3A_136 = arith.index_cast %parallel_loop3A_135 : i32 to index
      %parallel_loop3A_137 = arith.index_cast %parallel_loop3A_134 : i32 to index
      %parallel_loop3A_138 = tpu.vector_load %arg7[%parallel_loop3A_136, %parallel_loop3A_137] {strides = array<i32>} : memref<16x1024xf32, #tpu.memory_space<vmem>>, vector<16xf32>,
      tpu.vector_store %arg7[%parallel_loop3A_136, %parallel_loop3A_137], %parallel_loop3A_132 {strides = array<i32>} : memref<16x1024xf32, #tpu.memory_space<vmem>>, vector<16xf32>,
      %parallel_loop3A_139 = arith.constant 11 : i32
      %parallel_loop3A_140 = vector.broadcast %parallel_loop3A_139 : i32 to vector<16xi32>
      %parallel_loop3A_141 = tpu.vector_load_idx %arg5[%parallel_loop3A_140, %parallel_loop3A_39] : memref<16x1024xf32, #tpu.memory_space<vmem>>[vector<16xi32>, vector<16xi32>], vector<16xf32>,
      %parallel_loop3A_142 = arith.constant 16 : i32
      %parallel_loop3A_143 = arith.muli %parallel_loop3A_35, %parallel_loop3A_142 : i32
      %parallel_loop3A_144 = arith.constant 11 : i32
      %parallel_loop3A_145 = arith.index_cast %parallel_loop3A_144 : i32 to index
      %parallel_loop3A_146 = arith.index_cast %parallel_loop3A_143 : i32 to index
      %parallel_loop3A_147 = tpu.vector_load %arg7[%parallel_loop3A_145, %parallel_loop3A_146] {strides = array<i32>} : memref<16x1024xf32, #tpu.memory_space<vmem>>, vector<16xf32>,
      tpu.vector_store %arg7[%parallel_loop3A_145, %parallel_loop3A_146], %parallel_loop3A_141 {strides = array<i32>} : memref<16x1024xf32, #tpu.memory_space<vmem>>, vector<16xf32>,
      %parallel_loop3A_148 = arith.constant 12 : i32
      %parallel_loop3A_149 = vector.broadcast %parallel_loop3A_148 : i32 to vector<16xi32>
      %parallel_loop3A_150 = tpu.vector_load_idx %arg5[%parallel_loop3A_149, %parallel_loop3A_39] : memref<16x1024xf32, #tpu.memory_space<vmem>>[vector<16xi32>, vector<16xi32>], vector<16xf32>,
      %parallel_loop3A_151 = arith.constant 16 : i32
      %parallel_loop3A_152 = arith.muli %parallel_loop3A_35, %parallel_loop3A_151 : i32
      %parallel_loop3A_153 = arith.constant 12 : i32
      %parallel_loop3A_154 = arith.index_cast %parallel_loop3A_153 : i32 to index
      %parallel_loop3A_155 = arith.index_cast %parallel_loop3A_152 : i32 to index
      %parallel_loop3A_156 = tpu.vector_load %arg7[%parallel_loop3A_154, %parallel_loop3A_155] {strides = array<i32>} : memref<16x1024xf32, #tpu.memory_space<vmem>>, vector<16xf32>,
      tpu.vector_store %arg7[%parallel_loop3A_154, %parallel_loop3A_155], %parallel_loop3A_150 {strides = array<i32>} : memref<16x1024xf32, #tpu.memory_space<vmem>>, vector<16xf32>,
      %parallel_loop3A_157 = arith.constant 13 : i32
      %parallel_loop3A_158 = vector.broadcast %parallel_loop3A_157 : i32 to vector<16xi32>
      %parallel_loop3A_159 = tpu.vector_load_idx %arg5[%parallel_loop3A_158, %parallel_loop3A_39] : memref<16x1024xf32, #tpu.memory_space<vmem>>[vector<16xi32>, vector<16xi32>], vector<16xf32>,
      %parallel_loop3A_160 = arith.constant 16 : i32
      %parallel_loop3A_161 = arith.muli %parallel_loop3A_35, %parallel_loop3A_160 : i32
      %parallel_loop3A_162 = arith.constant 13 : i32
      %parallel_loop3A_163 = arith.index_cast %parallel_loop3A_162 : i32 to index
      %parallel_loop3A_164 = arith.index_cast %parallel_loop3A_161 : i32 to index
      %parallel_loop3A_165 = tpu.vector_load %arg7[%parallel_loop3A_163, %parallel_loop3A_164] {strides = array<i32>} : memref<16x1024xf32, #tpu.memory_space<vmem>>, vector<16xf32>,
      tpu.vector_store %arg7[%parallel_loop3A_163, %parallel_loop3A_164], %parallel_loop3A_159 {strides = array<i32>} : memref<16x1024xf32, #tpu.memory_space<vmem>>, vector<16xf32>,
      %parallel_loop3A_166 = arith.constant 14 : i32
      %parallel_loop3A_167 = vector.broadcast %parallel_loop3A_166 : i32 to vector<16xi32>
      %parallel_loop3A_168 = tpu.vector_load_idx %arg5[%parallel_loop3A_167, %parallel_loop3A_39] : memref<16x1024xf32, #tpu.memory_space<vmem>>[vector<16xi32>, vector<16xi32>], vector<16xf32>,
      %parallel_loop3A_169 = arith.constant 16 : i32
      %parallel_loop3A_170 = arith.muli %parallel_loop3A_35, %parallel_loop3A_169 : i32
      %parallel_loop3A_171 = arith.constant 14 : i32
      %parallel_loop3A_172 = arith.index_cast %parallel_loop3A_171 : i32 to index
      %parallel_loop3A_173 = arith.index_cast %parallel_loop3A_170 : i32 to index
      %parallel_loop3A_174 = tpu.vector_load %arg7[%parallel_loop3A_172, %parallel_loop3A_173] {strides = array<i32>} : memref<16x1024xf32, #tpu.memory_space<vmem>>, vector<16xf32>,
      tpu.vector_store %arg7[%parallel_loop3A_172, %parallel_loop3A_173], %parallel_loop3A_168 {strides = array<i32>} : memref<16x1024xf32, #tpu.memory_space<vmem>>, vector<16xf32>,
      %parallel_loop3A_175 = arith.constant 15 : i32
      %parallel_loop3A_176 = vector.broadcast %parallel_loop3A_175 : i32 to vector<16xi32>
      %parallel_loop3A_177 = tpu.vector_load_idx %arg5[%parallel_loop3A_176, %parallel_loop3A_39] : memref<16x1024xf32, #tpu.memory_space<vmem>>[vector<16xi32>, vector<16xi32>], vector<16xf32>,
      %parallel_loop3A_178 = arith.constant 16 : i32
      %parallel_loop3A_179 = arith.muli %parallel_loop3A_35, %parallel_loop3A_178 : i32
      %parallel_loop3A_180 = arith.constant 15 : i32
      %parallel_loop3A_181 = arith.index_cast %parallel_loop3A_180 : i32 to index
      %parallel_loop3A_182 = arith.index_cast %parallel_loop3A_179 : i32 to index
      %parallel_loop3A_183 = tpu.vector_load %arg7[%parallel_loop3A_181, %parallel_loop3A_182] {strides = array<i32>} : memref<16x1024xf32, #tpu.memory_space<vmem>>, vector<16xf32>,
      tpu.vector_store %arg7[%parallel_loop3A_181, %parallel_loop3A_182], %parallel_loop3A_177 {strides = array<i32>} : memref<16x1024xf32, #tpu.memory_space<vmem>>, vector<16xf32>,
    } {sc.loop_unroll_factor = 8 : i64, sc.parallel_access}
    "tpu.region"() ({
      %run_scoped3A = tpu.sem_alloc : memref<!tpu.dma_semaphore, #tpu.memory_space<semaphore_mem>>
      %dma_start3A = arith.constant 0 : i32
      %dma_start3A_35 = tpu.memref_slice %arg4[%select_n3A, %mul3A_32, %dma_start3A] : memref<8x64x1024xf32, #tpu.memory_space<hbm>> -> memref<1x16x1024xf32, #tpu.memory_space<hbm>>
      %dma_start3A_36 = tpu.memref_squeeze %dma_start3A_35 : memref<1x16x1024xf32, #tpu.memory_space<hbm>> -> memref<16x1024xf32, #tpu.memory_space<hbm>>
      %dma_start3A_37 = arith.constant 0 : i32
      %dma_start3A_38 = tpu.memref_slice %arg4[%select_n3A, %mul3A_32, %dma_start3A_37] : memref<8x64x1024xf32, #tpu.memory_space<hbm>> -> memref<1x16x1024xf32, #tpu.memory_space<hbm>>
      %dma_start3A_39 = tpu.memref_squeeze %dma_start3A_38 : memref<1x16x1024xf32, #tpu.memory_space<hbm>> -> memref<16x1024xf32, #tpu.memory_space<hbm>>
      tpu.enqueue_dma source(%arg7 : memref<16x1024xf32, #tpu.memory_space<vmem>>) target(%dma_start3A_39 : memref<16x1024xf32, #tpu.memory_space<hbm>>) target_semaphore(%run_scoped3A : memref<!tpu.dma_semaphore, #tpu.memory_space<semaphore_mem>>)
      %dma_wait3A = arith.constant 0 : i32
      %dma_wait3A_40 = tpu.memref_slice %arg4[%select_n3A, %mul3A_32, %dma_wait3A] : memref<8x64x1024xf32, #tpu.memory_space<hbm>> -> memref<1x16x1024xf32, #tpu.memory_space<hbm>>
      %dma_wait3A_41 = tpu.memref_squeeze %dma_wait3A_40 : memref<1x16x1024xf32, #tpu.memory_space<hbm>> -> memref<16x1024xf32, #tpu.memory_space<hbm>>
      %dma_wait3A_42 = arith.constant 0 : i32
      %dma_wait3A_43 = tpu.memref_slice %arg4[%select_n3A, %mul3A_32, %dma_wait3A_42] : memref<8x64x1024xf32, #tpu.memory_space<hbm>> -> memref<1x16x1024xf32, #tpu.memory_space<hbm>>
      %dma_wait3A_44 = tpu.memref_squeeze %dma_wait3A_43 : memref<1x16x1024xf32, #tpu.memory_space<hbm>> -> memref<16x1024xf32, #tpu.memory_space<hbm>>
      tpu.wait_dma2 semaphore(%run_scoped3A : memref<!tpu.dma_semaphore, #tpu.memory_space<semaphore_mem>>) src(%arg7 : memref<16x1024xf32, #tpu.memory_space<vmem>>) dst(%dma_wait3A_44 : memref<16x1024xf32, #tpu.memory_space<hbm>>)
      tpu.yield
    }) : () -> ()
    return
  }
}

module attributes {stable_mosaic.version = 14 : i64} {
  func.func @_tc_argmin_body(%arg0: i32, %arg1: memref<1x64x1024xf32, #tpu.memory_space<vmem>>, %arg2: memref<64x1024xf32, #tpu.memory_space<vmem>>, %arg3: memref<1x1x1024xi32, #tpu.memory_space<vmem>>) attributes {dimension_semantics = [#tpu.dimension_semantics<arbitrary>], iteration_bounds = array<i64: 8>, scalar_prefetch = 0 : i64, scratch_operands = 0 : i64, tpu.core_type = #tpu.core_type<tc>, window_params = [{transform_indices = @transform_0, window_bounds = array<i64: 1, 64, 1024>}, {pipeline_mode = #tpu.pipeline_mode<synchronous>, transform_indices = @transform_1, window_bounds = array<i64: 64, 1024>}, {transform_indices = @transform_2, window_bounds = array<i64: 1, 1, 1024>}]} {
    %get3A = arith.constant 0 : index
    %get3A_0 = arith.constant 0 : index
    %get3A_1 = arith.constant 0 : index
    %get3A_2 = vector.load %arg1[%get3A, %get3A_0, %get3A_1] : memref<1x64x1024xf32, #tpu.memory_space<vmem>>, vector<1x64x1024xf32>
    %get3A_3 = vector.shape_cast %get3A_2 : vector<1x64x1024xf32> to vector<64x1024xf32>
    %get3A_4 = arith.constant 0 : index
    %get3A_5 = arith.constant 0 : index
    %get3A_6 = vector.load %arg2[%get3A_4, %get3A_5] : memref<64x1024xf32, #tpu.memory_space<vmem>>, vector<64x1024xf32>
    %mul3A = arith.mulf %get3A_6, %get3A_6 : vector<64x1024xf32>
    %reduce_sum3A = arith.constant dense<0.000000e+00> : vector<1024xf32>
    %reduce_sum3A_7 = vector.multi_reduction <add>, %mul3A, %reduce_sum3A [0] : vector<64x1024xf32> to vector<1024xf32>
    %broadcast_in_dim3A = vector.shape_cast %reduce_sum3A_7 : vector<1024xf32> to vector<1024x1xf32>
    %mul3A_8 = arith.constant -2.000000e+00 : f32
    %mul3A_9 = vector.broadcast %mul3A_8 : f32 to vector<64x1024xf32>
    %mul3A_10 = arith.mulf %get3A_6, %mul3A_9 : vector<64x1024xf32>
    %dot_general3A = arith.constant dense<0.000000e+00> : vector<1024x1024xf32>
    %dot_general3A_11 = tpu.matmul %mul3A_10, %get3A_3, %dot_general3A {dimension_numbers = #tpu.dot_dimension_numbers<[0], [0], [1], [1], [0, 1, 1, 1], [], []>, transpose_lhs_hint = false} : vector<64x1024xf32>, vector<64x1024xf32>, vector<1024x1024xf32> -> vector<1024x1024xf32>
    %add3A = vector.broadcast %broadcast_in_dim3A : vector<1024x1xf32> to vector<1024x1024xf32>
    %add3A_12 = arith.addf %add3A, %dot_general3A_11 : vector<1024x1024xf32>
    %argmin3A = tpu.reduce_index %add3A_12 {axis = 0 : i32, kind = #tpu.reduction_kind<arg_min>} : vector<1024x1024xf32> -> vector<1024xi32>
    %swap3A = arith.constant 0 : index
    %swap3A_13 = arith.constant 0 : index
    %swap3A_14 = arith.constant 0 : index
    %swap3A_15 = vector.load %arg3[%swap3A, %swap3A_13, %swap3A_14] : memref<1x1x1024xi32, #tpu.memory_space<vmem>>, vector<1x1x1024xi32>
    %swap3A_16 = vector.shape_cast %swap3A_15 : vector<1x1x1024xi32> to vector<1024xi32>
    %swap3A_17 = vector.shape_cast %argmin3A : vector<1024xi32> to vector<1x1x1024xi32>
    tpu.vector_store %arg3[%swap3A, %swap3A_13, %swap3A_14], %swap3A_17 {strides = array<i32>} : memref<1x1x1024xi32, #tpu.memory_space<vmem>>, vector<1x1x1024xi32>,
    return
  }
  func.func @transform_0(%arg0: i32) -> (i32, i32, i32) {
    %add3A = arith.constant 0 : i32
    %add3A_0 = arith.addi %arg0, %add3A : i32
    %c0_i32 = arith.constant 0 : i32
    %c0_i32_1 = arith.constant 0 : i32
    %c0_i32_2 = arith.constant 0 : i32
    return %add3A_0, %c0_i32, %c0_i32_1 : i32, i32, i32
  }
  func.func @transform_1(%arg0: i32) -> (i32, i32) {
    %c0_i32 = arith.constant 0 : i32
    %c0_i32_0 = arith.constant 0 : i32
    %c0_i32_1 = arith.constant 0 : i32
    return %c0_i32, %c0_i32_0 : i32, i32
  }
  func.func @transform_2(%arg0: i32) -> (i32, i32, i32) {
    %c0_i32 = arith.constant 0 : i32
    %c0_i32_0 = arith.constant 0 : i32
    %c0_i32_1 = arith.constant 0 : i32
    return %arg0, %c0_i32, %c0_i32_0 : i32, i32, i32
  }
}

module attributes {stable_mosaic.version = 14 : i64} {
  func.func @_tc_argmin_body(%arg0: i32, %arg1: memref<1x64x1024xf32, #tpu.memory_space<vmem>>, %arg2: memref<64x1024xf32, #tpu.memory_space<vmem>>, %arg3: memref<1x1x1024xi32, #tpu.memory_space<vmem>>) attributes {dimension_semantics = [#tpu.dimension_semantics<arbitrary>], iteration_bounds = array<i64: 8>, scalar_prefetch = 0 : i64, scratch_operands = 0 : i64, tpu.core_type = #tpu.core_type<tc>, window_params = [{transform_indices = @transform_0, window_bounds = array<i64: 1, 64, 1024>}, {pipeline_mode = #tpu.pipeline_mode<synchronous>, transform_indices = @transform_1, window_bounds = array<i64: 64, 1024>}, {transform_indices = @transform_2, window_bounds = array<i64: 1, 1, 1024>}]} {
    %get3A = arith.constant 0 : index
    %get3A_0 = arith.constant 0 : index
    %get3A_1 = arith.constant 0 : index
    %get3A_2 = vector.load %arg1[%get3A, %get3A_0, %get3A_1] : memref<1x64x1024xf32, #tpu.memory_space<vmem>>, vector<1x64x1024xf32>
    %get3A_3 = vector.shape_cast %get3A_2 : vector<1x64x1024xf32> to vector<64x1024xf32>
    %get3A_4 = arith.constant 0 : index
    %get3A_5 = arith.constant 0 : index
    %get3A_6 = vector.load %arg2[%get3A_4, %get3A_5] : memref<64x1024xf32, #tpu.memory_space<vmem>>, vector<64x1024xf32>
    %mul3A = arith.mulf %get3A_6, %get3A_6 : vector<64x1024xf32>
    %reduce_sum3A = arith.constant dense<0.000000e+00> : vector<1024xf32>
    %reduce_sum3A_7 = vector.multi_reduction <add>, %mul3A, %reduce_sum3A [0] : vector<64x1024xf32> to vector<1024xf32>
    %broadcast_in_dim3A = vector.shape_cast %reduce_sum3A_7 : vector<1024xf32> to vector<1024x1xf32>
    %mul3A_8 = arith.constant -2.000000e+00 : f32
    %mul3A_9 = vector.broadcast %mul3A_8 : f32 to vector<64x1024xf32>
    %mul3A_10 = arith.mulf %get3A_6, %mul3A_9 : vector<64x1024xf32>
    %dot_general3A = arith.constant dense<0.000000e+00> : vector<1024x1024xf32>
    %dot_general3A_11 = tpu.matmul %mul3A_10, %get3A_3, %dot_general3A {dimension_numbers = #tpu.dot_dimension_numbers<[0], [0], [1], [1], [0, 1, 1, 1], [], []>, transpose_lhs_hint = false} : vector<64x1024xf32>, vector<64x1024xf32>, vector<1024x1024xf32> -> vector<1024x1024xf32>
    %add3A = vector.broadcast %broadcast_in_dim3A : vector<1024x1xf32> to vector<1024x1024xf32>
    %add3A_12 = arith.addf %add3A, %dot_general3A_11 : vector<1024x1024xf32>
    %argmin3A = tpu.reduce_index %add3A_12 {axis = 0 : i32, kind = #tpu.reduction_kind<arg_min>} : vector<1024x1024xf32> -> vector<1024xi32>
    %swap3A = arith.constant 0 : index
    %swap3A_13 = arith.constant 0 : index
    %swap3A_14 = arith.constant 0 : index
    %swap3A_15 = vector.load %arg3[%swap3A, %swap3A_13, %swap3A_14] : memref<1x1x1024xi32, #tpu.memory_space<vmem>>, vector<1x1x1024xi32>
    %swap3A_16 = vector.shape_cast %swap3A_15 : vector<1x1x1024xi32> to vector<1024xi32>
    %swap3A_17 = vector.shape_cast %argmin3A : vector<1024xi32> to vector<1x1x1024xi32>
    tpu.vector_store %arg3[%swap3A, %swap3A_13, %swap3A_14], %swap3A_17 {strides = array<i32>} : memref<1x1x1024xi32, #tpu.memory_space<vmem>>, vector<1x1x1024xi32>,
    return
  }
  func.func @transform_0(%arg0: i32) -> (i32, i32, i32) {
    %add3A = arith.constant 8 : i32
    %add3A_0 = arith.addi %arg0, %add3A : i32
    %c0_i32 = arith.constant 0 : i32
    %c0_i32_1 = arith.constant 0 : i32
    %c0_i32_2 = arith.constant 0 : i32
    return %add3A_0, %c0_i32, %c0_i32_1 : i32, i32, i32
  }
  func.func @transform_1(%arg0: i32) -> (i32, i32) {
    %c0_i32 = arith.constant 0 : i32
    %c0_i32_0 = arith.constant 0 : i32
    %c0_i32_1 = arith.constant 0 : i32
    return %c0_i32, %c0_i32_0 : i32, i32
  }
  func.func @transform_2(%arg0: i32) -> (i32, i32, i32) {
    %c0_i32 = arith.constant 0 : i32
    %c0_i32_0 = arith.constant 0 : i32
    %c0_i32_1 = arith.constant 0 : i32
    return %arg0, %c0_i32, %c0_i32_0 : i32, i32, i32
  }
}

</mosaic_0001>

<sc_bundles>
// kernel: kernel.6.cloned.1.call-start
scs
__scs_entry_jumppad:
0x0: {  	(pc) =	sbr.rel $0x88, $3  }
0x1: {  	(tag) =	ssettag $0x0;
	lr =	simm.s32 $0x1  }
0x2: {  	[smem:$0x3F9F] =	sst lr;
	_ =	strace $0xD0000000  }
0x3: {  	_ = 	snop  }
0x4: {  	_ = 	snop  }
0x5: {  	_ = 	snop  }
0x6: {  	_ = 	snop  }
0x7: {  	_ = 	snop  }
__scs_overlays_trampoline_lowered:
0x8: {  	[smem:$0x3FAE] =	sst s0  }
0x9: {  	[smem:$0x3FAF] =	sst s1  }
0xa: {  	[smem:$0x3FB0] =	sst s2  }
0xb: {  	[smem:$0x3FB1] =	sst s3  }
0xc: {  	[smem:$0x3FB2] =	sst s4  }
0xd: {  	[smem:$0x3FB3] =	sst s5  }
0xe: {  	[smem:$0x3FB4] =	sst s6  }
0xf: {  	[smem:$0x3FB5] =	sst s7  }
0x10: {  	[smem:$0x3FB6] =	sst s8  }
0x11: {  	[smem:$0x3FB7] =	sst s9;
	s0 =	simm.s32 @!p0 $0x0  }
0x12: {  	s1 =	sld [smem:$0x3F9D];
	s0 =	simm.s32 @p0 $0x1  }
0x13: {  	[smem:$0x3FB8] =	sst s0;
	s0 =	simm.s32 @!p1 $0x0  }
0x14: {  	s2 =	sld [smem:$0x3F9C];
	s0 =	simm.s32 @p1 $0x1  }
0x15: {  	[smem:$0x3FB9] =	sst s0;
	s0 =	simm.s32 @!p2 $0x0  }
0x16: {  	s3 =	sld [smem:$0x3FDB];
	s0 =	simm.s32 @p2 $0x1  }
0x17: {  	s4 =	simm.s32 $0x1BF5;
	[smem:$0x3FBB] =	sst s0  }
0x18: {  	s0 =	sld [smem:$0x3F9E];
	_ =	swait.ge [sflag:s4], $0x0  }
0x19: {  	s7 =	sld [smem:$0x3F9F]  }
0x1a: {  	s8 =	sadd.s32 $0xFFFFE003, lr  }
0x1b: {  	s9 =	sadd.s32 $0xFFFFFEF7, lr;
	s5 =	simm.s32 $0xFFFFFFFF;
	p2 =	slt.u32 s8, $0xFFFFF086  }
0x1c: {  	p1 =	slt.u32 s9, $0xF7A;
	s5 =	simm.s32 @!p2 $0x0  }
0x1d: {  	s5 =	simm.s32 @p1 $0x1;
	p0 =	seq.s32 s7, s2  }
0x1e: {  	s7 =	smul.u32 @!p0 $0xF7A, s2;
	p2 =	seq.s32 @!p0 s5, $0x0  }
0x1f: {  	s9 =	smul.u32 $0xF7A, s1;
	s8 =	simm.s32 @!p0 $0x1BF5;
	p2 =	por !p2, p0  }
0x20: {  	[sflag:s8] =	ssyncset.s32 @!p0 $0xFFFFF086;
	s6 =	sadd.s32 @!p0 s3, s7;
	s7 =	simm.s32 @!p0 $0x108  }
0x21: {  	s3 =	sadd.s32 s3, s9;
	s6 =	sadd.s32 @!p0 $0x88, s6;
	s7 =	simm.s32 @p2 $0x1082  }
0x22: {  	[simem:s7], [sflag:s8] =	dma.local @!p0 [hbm:s6], $0xF7A  }
0x23: {  	s9 =	sor.u32 $0xD0000000, s2;
	s6 =	simm.s32 $0x108;
	_ =	swait.ge @!p0 [sflag:s8], $0x0  }
0x24: {  	s3 =	sadd.s32 $0x88, s3;
	s6 =	simm.s32 @!p1 $0x1082;
	[sflag:s4] =	ssyncset.s32 $0xFFFFF086  }
0x25: {  	[simem:s6], [sflag:s4] =	dma.local [hbm:s3], $0xF7A  }
0x26: {  	[smem:$0x3F9F] =	sst s1;
	(tag) =	ssettag s2;
	_ =	strace s9  }
0x27: {  	s1 =	sld [smem:$0x3FAF]  }
0x28: {  	s2 =	sld [smem:$0x3FB0]  }
0x29: {  	s4 =	sld [smem:$0x3FB2]  }
0x2a: {  	p0 =	seq.s32 s5, $0x0;
	s5 =	sld [smem:$0x3FB3]  }
0x2b: {  	s6 =	sld [smem:$0x3FB4]  }
0x2c: {  	s7 =	sld [smem:$0x3FB5]  }
0x2d: {  	s3 =	simm.s32 $0x108;
	s8 =	sld [smem:$0x3FB6]  }
0x2e: {  	s3 =	simm.s32 @!p0 $0x1082;
	s9 =	sld [smem:$0x3FB7]  }
0x2f: {  	lr =	sadd.s32 s0, s3;
	s0 =	sld [smem:$0x3FAE]  }
0x30: {  	s3 =	sld [smem:$0x3FB1]  }
0x31: {  	[smem:$0x3FBA] =	sst s10  }
0x32: {  	s10 =	sld [smem:$0x3FB8];
	_ =	sdelay $0x3  }
0x33: {  	p0 =	seq.s32 s10, $0x1;
	s10 =	sld [smem:$0x3FBA];
	_ =	sdelay $0x3  }
0x34: {  	[smem:$0x3FBA] =	sst s10  }
0x35: {  	s10 =	sld [smem:$0x3FB9];
	_ =	sdelay $0x3  }
0x36: {  	p1 =	seq.s32 s10, $0x1;
	s10 =	sld [smem:$0x3FBA];
	_ =	sdelay $0x3  }
0x37: {  	[smem:$0x3FBA] =	sst s10  }
0x38: {  	s10 =	sld [smem:$0x3FBB]  }
0x39: {  	_ = 	snop;
	(pc) =	sbr.ind lr, $3  }
0x3a: {  	_ = 	snop  }
0x3b: {  	_ = 	snop  }
0x3c: {  	p2 =	seq.s32 s10, $0x1;
	s10 =	sld [smem:$0x3FBA]  }
0x3d: {  	_ =	shalt  }
0x3e: {  	_ =	shalt  }
0x3f: {  	_ =	shalt  }
0x40: {  	_ =	shalt  }
0x41: {  	_ =	shalt  }
0x42: {  	_ =	shalt  }
0x43: {  	_ =	shalt  }
0x44: {  	_ =	shalt  }
0x45: {  	_ =	shalt  }
0x46: {  	_ =	shalt  }
0x47: {  	_ =	shalt  }
0x48: {  	_ =	shalt  }
0x49: {  	_ =	shalt  }
0x4a: {  	_ =	shalt  }
0x4b: {  	_ =	shalt  }
0x4c: {  	_ =	shalt  }
0x4d: {  	_ =	shalt  }
0x4e: {  	_ =	shalt  }
0x4f: {  	_ =	shalt  }
0x50: {  	_ =	shalt  }
0x51: {  	_ =	shalt  }
0x52: {  	_ =	shalt  }
0x53: {  	_ =	shalt  }
0x54: {  	_ =	shalt  }
0x55: {  	_ =	shalt  }
0x56: {  	_ =	shalt  }
0x57: {  	_ =	shalt  }
0x58: {  	_ =	shalt  }
0x59: {  	_ =	shalt  }
0x5a: {  	_ =	shalt  }
0x5b: {  	_ =	shalt  }
0x5c: {  	_ =	shalt  }
0x5d: {  	_ =	shalt  }
0x5e: {  	_ =	shalt  }
0x5f: {  	_ =	shalt  }
0x60: {  	_ =	shalt  }
0x61: {  	_ =	shalt  }
0x62: {  	_ =	shalt  }
0x63: {  	_ =	shalt  }
0x64: {  	_ =	shalt  }
0x65: {  	_ =	shalt  }
0x66: {  	_ =	shalt  }
0x67: {  	_ =	shalt  }
0x68: {  	_ =	shalt  }
0x69: {  	_ =	shalt  }
0x6a: {  	_ =	shalt  }
0x6b: {  	_ =	shalt  }
0x6c: {  	_ =	shalt  }
0x6d: {  	_ =	shalt  }
0x6e: {  	_ =	shalt  }
0x6f: {  	_ =	shalt  }
0x70: {  	_ =	shalt  }
0x71: {  	_ =	shalt  }
0x72: {  	_ =	shalt  }
0x73: {  	_ =	shalt  }
0x74: {  	_ =	shalt  }
0x75: {  	_ =	shalt  }
0x76: {  	_ =	shalt  }
0x77: {  	_ =	shalt  }
0x78: {  	_ =	shalt  }
0x79: {  	_ =	shalt  }
0x7a: {  	_ =	shalt  }
0x7b: {  	_ =	shalt  }
0x7c: {  	_ =	shalt  }
0x7d: {  	_ =	shalt  }
0x7e: {  	_ =	shalt  }
0x7f: {  	_ =	shalt  }
0x80: {  	_ =	shalt  }
0x81: {  	_ =	shalt  }
0x82: {  	_ =	shalt  }
0x83: {  	_ =	shalt  }
0x84: {  	_ =	shalt  }
0x85: {  	_ =	shalt  }
0x86: {  	_ =	shalt  }
0x87: {  	_ =	shalt  }
.Lfunc_end0:
.L_simem_size_0:
called_computation_lowered:
.L_overlay_start_0:
0x88: {  	s2 =	sld [smem:$0x3FD9]  }
0x89: {  	s3 =	sld [smem:$0x3FFE];
	_ =	sdelay $0x1  }
0x8a: {  	s1 =	srdreg.scid  }
0x8b: {  	s0 =	sand.u32 $0x1, s1  }
0x8c: {  	s16 =	sshll.u32 s0, $0xA;
	s2 =	sadd.s32 s3, s2  }
0x8d: {  	s2 =	sadd.s32 s2, s16  }
0x8e: {  	[smem:$0x3FC6] =	sst s2  }
0x8f: {  	_ = 	snop  }
0x90: {  	(tm) =	ssettm $0x1  }
0x91: {  	s17 =	sld [smem:$0x3FFB];
	_ =	sdelay $0x3  }
0x92: {  	_ =	strace s17  }
0x93: {  	s2 =	sld [smem:$0x3FFC];
	_ =	sdelay $0x3  }
0x94: {  	_ =	strace s2  }
0x95: {  	s2 =	sld [smem:$0x3FFD];
	_ =	sdelay $0x3  }
0x96: {  	_ =	strace s2  }
0x97: {  	_ =	strace $0x8FFFFFFF  }
0x98: {  	s18 =	sld [smem:$0x3FDB];
	_ =	sdelay $0x1  }
0x99: {  	s19 =	simm.s32 $_scs_section_size  }
0x9a: {  	s4 =	simm.s32 $_size__tile_overlayer_lowered;
	s5 =	simm.s32 $_tile_overlayer_lowered  }
0x9b: {  	s22 =	simm.s32 $0x1BFF;
	s21 =	sshll.u32 s5, $0x1;
	s2 =	sadd.s32 s19, s18  }
0x9c: {  	s6 =	simm.s32 $0x0;
	s20 =	sshll.u32 s4, $0x1;
	s4 =	sadd.s32 s21, s2  }
0x9d: {  	[timem:s6], [sflag:s22] =	dma.local [hbm:s4], s20  }
0x9e: {  	_ =	swait.ge [sflag:s22], s20  }
0x9f: {  	s3 =	ssub.s32 $0x0, s20;
	[sflag:s22] =	ssyncset.done $0x0  }
0xa0: {  	[sflag:s22] =	ssyncadd.s32 s3;
	_ =	sdelay $0x1  }
0xa1: {  	s23 =	simm.s32 $0x1B8B  }
0xa2: {  	_ =	swait.ge [sflag:s23], $0x1  }
0xa3: {  	[sflag:s23] =	ssyncset.done $0x0  }
0xa4: {  	s25 =	simm.s32 $0x1B8E;
	s24 =	sld [smem:$0x3FFE];
	[sflag:s23] =	ssyncadd.s32 $0xFFFFFFFF  }
0xa5: {  	s26 =	simm.s32 $execute0_lowered;
	[smem:$0x3FD2] =	sst s25  }
0xa6: {  	s4 =	sshll.u32 s26, $0x1;
	_ =	strace $0x80000046;
	[dreg:$0x1] =	wrdreg $0xFFFFFFFF  }
0xa7: {  	s28 =	simm.s32 $_size_execute0_lowered;
	s2 =	sadd.s32 s2, s4;
	[dreg:$0x0] =	wrdreg $0x0  }
0xa8: {  	s4 =	sshll.u32 s28, $0x1;
	[dreg:$0x2] =	wrdreg s2  }
0xa9: {  	[dreg:$0x3] =	wrdreg s4  }
0xaa: {  	[dreg:$0x4] =	wrdreg $0xC0  }
0xab: {  	_ =	task [dreg:s6], $0x5FFFF  }
0xac: {  	[dreg:$0x1] =	wrdreg $0xFFFFFFFF  }
0xad: {  	[dreg:$0x0] =	wrdreg $0x60  }
0xae: {  	[dreg:$0x2] =	wrdreg s24  }
0xaf: {  	[dreg:$0x3] =	wrdreg $0x9  }
0xb0: {  	_ =	task.clear_ibuf [dreg:s6], $0x4FFFF;
	_ =	strace $0x90000046  }
0xb1: {  	s29 =	simm.s32 $0x9;
	_ =	strace $0x80000048  }
0xb2: {  	_ =	swait.ge [sflag:s29], $0x1  }
0xb3: {  	[sflag:s29] =	ssyncadd.s32 $0xFFFFFFFF  }
0xb4: {  	_ =	strace $0x90000048  }
0xb5: {  	_ =	sfence  }
0xb6: {  	s30 =	sld [smem:$0x0];
	_ =	sdelay $0x2  }
0xb7: {  	s31 =	sshll.u32 s1, $0xD;
	s1 =	sshrl.u32 s1, $0x2  }
0xb8: {  	s3 =	sand.u32 $0x4000, s31;
	s1 =	sadd.s32 s1, s30  }
0xb9: {  	s0 =	sor.u32 s3, s0;
	s1 =	sshll.u32 s1, $0x11  }
0xba: {  	s0 =	sor.u32 s1, s0  }
0xbb: {  	s0 =	sadd.s32 $0x8F2B, s0  }
0xbc: {  	[sflag:s0] =	ssyncadd.remote.s32 $0x1  }
0xbd: {  	_ =	sfence.sel $0xFFFF  }
0xbe: {  	[dreg:$0x0] =	wrdreg $0xFFFFFFFF;
	(pc) =	sbr.abs _section_cstart, $3  }
0xbf: {  	[dreg:$0x1] =	wrdreg $0xFFFFFFFF  }
0xc0: {  	_ =	task.clear_ibuf [dreg:s6], $0x2FFFF;
	_ =	strace $0x9FFFFFFF  }
0xc1: {  	(tm) =	ssettm $0x7FFFFFFF  }
tec
execute0_lowered:
.L_overlay_start_1:
0x0: {  	(tag) =	ssettag $0x1  }
0x1: {  	s3 =	rddreg [dreg:$0x0]  }
0x2: {  	s0 =	rddreg [dreg:$0x1]  }
0x3: {  	s1 =	stileid.u32;
	s2 =	simm.s32 $0x0;
	s4 =	srdreg.scid  }
0x4: {  	s9 =	simm.s32 $0x4400;
	s10 =	simm.s32 $0x0;
	s5 =	sshll.u32 s1, $0x1  }
0x5: {  	[smem:$0x7FF] =	sst s2;
	s4 =	sand.u32 $0x1, s4;
	s5 =	sand.u32 $0x2, s5  }
0x6: {  	s6 =	sshrl.u32 s1, $0x1;
	_ =	strace $0x80000047;
	s5 =	sor.u32 s4, s5  }
0x7: {  	s7 =	sshll.u32 s6, $0x7;
	s4 =	ssub.s32 $0x2, s4;
	s5 =	sshll.u32 s5, $0xB  }
0x8: {  	s6 =	sshll.u32 s6, $0xD;
	s8 =	sshrl.u32 s4, $0x1;
	s5 =	sadd.s32 s5, s3  }
0x9: {  	s3 =	sadd.s32 s7, s3;
	s31 =	ssub.s32 s4, s8;
	s7 =	simm.s32 $0x4000  }
0xa: {  	s8 =	simm.s32 $0x1;
	s4 =	sadd.s32 $0xC00, s5;
	s5 =	sadd.s32 s6, s5  }
0xb: {  	s3 =	sadd.s32 $0x800, s3;
	s6 =	smax.u32 s31, $0x1;
	s5 =	sadd.s32 $0x2C00, s5  }
.LBB2_1:
0xc: {  	[tilespmem:s7], [sflag:$0x1] =	stream.linear.gather [hbm4b:s3+s2], $0x400, $0x38;
	[tilespmem:$0x8400] =	vst v63  }
0xd: {  	_ =	swait.ge [sflag:s8], $0x400  }
0xe: {  	[sflag:s8] =	ssyncset.done $0x0  }
0xf: {  	[sflag:s8] =	ssyncadd.s32 $0xFFFFFC00  }
0x10: {  	[tilespmem:s2], [sflag:$0x1] =	stream.linear.gather [hbm4b:s4+s2], $0x4000, $0x38;
	[tilespmem:$0x8400] =	vst v63  }
0x11: {  	_ =	swait.ge [sflag:s8], $0x4000  }
0x12: {  	[sflag:s8] =	ssyncset.done $0x0  }
0x13: {  	s11 =	simm.s32 $0x4040;
	[sflag:s8] =	ssyncadd.s32 $0xFFFFC000  }
0x14: {  	v7 =	vld [tilespmem:s11+$0x30]  }
0x15: {  	v5 =	vld [tilespmem:s11+$0xFFFFFFD0]  }
0x16: {  	v4 =	vld [tilespmem:s11+$0xFFFFFFE0]  }
0x17: {  	v3 =	vld [tilespmem:s11+$0xFFFFFFF0]  }
0x18: {  	v2 =	vld [tilespmem:s11+$0x0]  }
0x19: {  	v1 =	vld [tilespmem:s11+$0x10]  }
0x1a: {  	v0 =	vld [tilespmem:s11+$0x20]  }
0x1b: {  	v6 =	vld [tilespmem:s11+$0xFFFFFFC0]  }
0x1c: {  	v8 =	vld.idx.msk [tilespmem:v7+s2+$0x0], $0xffff  }
0x1d: {  	v9 =	vld.idx.msk [tilespmem:v5+s2+$0x0], $0xffff  }
0x1e: {  	v10 =	vld.idx.msk [tilespmem:v4+s2+$0x0], $0xffff  }
0x1f: {  	v11 =	vadd.s32 $0x400, v7;
	v12 =	vld.idx.msk [tilespmem:v3+s2+$0x0], $0xffff  }
0x20: {  	s11 =	simm.s32 $0x6400;
	v13 =	vadd.s32 $0x400, v5;
	v14 =	vld.idx.msk [tilespmem:v2+s2+$0x0], $0xffff  }
0x21: {  	v15 =	vadd.s32 $0x400, v4;
	v16 =	vld.idx.msk [tilespmem:v1+s2+$0x0], $0xffff;
	[tilespmem:s11+$0xFFFFE070] =	vst v8  }
0x22: {  	v17 =	vadd.s32 $0x400, v3;
	v18 =	vld.idx.msk [tilespmem:v0+s2+$0x0], $0xffff;
	[tilespmem:s11+$0xFFFFE010] =	vst v9  }
0x23: {  	v38 =	vadd.s32 $0x400, v0;
	[tilespmem:s11+$0xFFFFE020] =	vst v10;
	v10 =	vld.idx.msk [tilespmem:v6+s2+$0x0], $0xffff  }
0x24: {  	v8 =	vadd.s32 $0x400, v2;
	[tilespmem:s11+$0xFFFFE030] =	vst v12;
	v9 =	vld.idx.msk [tilespmem:v11+s2+$0x0], $0xffff  }
0x25: {  	[tilespmem:s11+$0xFFFFE040] =	vst v14;
	v11 =	vadd.s32 $0x400, v1;
	v13 =	vld.idx.msk [tilespmem:v13+s2+$0x0], $0xffff  }
0x26: {  	v37 =	vadd.s32 $0x400, v6;
	[tilespmem:s11+$0xFFFFE050] =	vst v16;
	v15 =	vld.idx.msk [tilespmem:v15+s2+$0x0], $0xffff  }
0x27: {  	v36 =	vadd.s32 $0x800, v7;
	[tilespmem:s11+$0xFFFFE060] =	vst v18;
	v17 =	vld.idx.msk [tilespmem:v17+s2+$0x0], $0xffff  }
0x28: {  	v39 =	vadd.s32 $0x800, v5;
	v41 =	vld.idx.msk [tilespmem:v38+s2+$0x0], $0xffff;
	[tilespmem:s11+$0xFFFFE000] =	vst v10  }
0x29: {  	v8 =	vld.idx.msk [tilespmem:v8+s2+$0x0], $0xffff;
	v10 =	vadd.s32 $0x800, v3;
	[tilespmem:s11+$0xFFFFE470] =	vst v9  }
0x2a: {  	v9 =	vadd.s32 $0x800, v4;
	v11 =	vld.idx.msk [tilespmem:v11+s2+$0x0], $0xffff;
	[tilespmem:s11+$0xFFFFE410] =	vst v13  }
0x2b: {  	v40 =	vadd.s32 $0x800, v2;
	v14 =	vld.idx.msk [tilespmem:v37+s2+$0x0], $0xffff;
	[tilespmem:s11+$0xFFFFE420] =	vst v15  }
0x2c: {  	v43 =	vadd.s32 $0x800, v6;
	[tilespmem:s11+$0xFFFFE430] =	vst v17;
	v12 =	vld.idx.msk [tilespmem:v36+s2+$0x0], $0xffff  }
0x2d: {  	v42 =	vadd.s32 $0xC00, v7;
	[tilespmem:s11+$0xFFFFE460] =	vst v41;
	v18 =	vld.idx.msk [tilespmem:v39+s2+$0x0], $0xffff  }
0x2e: {  	v44 =	vadd.s32 $0xC00, v5;
	[tilespmem:s11+$0xFFFFE440] =	vst v8;
	v10 =	vld.idx.msk [tilespmem:v10+s2+$0x0], $0xffff  }
0x2f: {  	v8 =	vadd.s32 $0x800, v1;
	v9 =	vld.idx.msk [tilespmem:v9+s2+$0x0], $0xffff;
	[tilespmem:s11+$0xFFFFE450] =	vst v11  }
0x30: {  	v11 =	vadd.s32 $0x800, v0;
	v13 =	vld.idx.msk [tilespmem:v40+s2+$0x0], $0xffff;
	[tilespmem:s11+$0xFFFFE400] =	vst v14  }
0x31: {  	v46 =	vadd.s32 $0xC00, v3;
	[tilespmem:s11+$0xFFFFE870] =	vst v12;
	v17 =	vld.idx.msk [tilespmem:v43+s2+$0x0], $0xffff  }
0x32: {  	v45 =	vadd.s32 $0xC00, v4;
	[tilespmem:s11+$0xFFFFE810] =	vst v18;
	v16 =	vld.idx.msk [tilespmem:v42+s2+$0x0], $0xffff  }
0x33: {  	v47 =	vadd.s32 $0x1000, v7;
	v12 =	vld.idx.msk [tilespmem:v44+s2+$0x0], $0xffff;
	[tilespmem:s11+$0xFFFFE830] =	vst v10  }
0x34: {  	v50 =	vadd.s32 $0x1000, v5;
	v8 =	vld.idx.msk [tilespmem:v8+s2+$0x0], $0xffff;
	[tilespmem:s11+$0xFFFFE820] =	vst v9  }
0x35: {  	v10 =	vadd.s32 $0xC00, v2;
	v11 =	vld.idx.msk [tilespmem:v11+s2+$0x0], $0xffff;
	[tilespmem:s11+$0xFFFFE840] =	vst v13  }
0x36: {  	v9 =	vadd.s32 $0xC00, v6;
	v15 =	vld.idx.msk [tilespmem:v46+s2+$0x0], $0xffff;
	[tilespmem:s11+$0xFFFFE800] =	vst v17  }
0x37: {  	v48 =	vadd.s32 $0xC00, v1;
	v14 =	vld.idx.msk [tilespmem:v45+s2+$0x0], $0xffff;
	[tilespmem:s11+$0xFFFFEC70] =	vst v16  }
0x38: {  	v49 =	vadd.s32 $0xC00, v0;
	[tilespmem:s11+$0xFFFFEC10] =	vst v12;
	v18 =	vld.idx.msk [tilespmem:v47+s2+$0x0], $0xffff  }
0x39: {  	v52 =	vadd.s32 $0x1000, v3;
	v17 =	vld.idx.msk [tilespmem:v50+s2+$0x0], $0xffff;
	[tilespmem:s11+$0xFFFFE850] =	vst v8  }
0x3a: {  	v8 =	vadd.s32 $0x1000, v4;
	v10 =	vld.idx.msk [tilespmem:v10+s2+$0x0], $0xffff;
	[tilespmem:s11+$0xFFFFE860] =	vst v11  }
0x3b: {  	v9 =	vld.idx.msk [tilespmem:v9+s2+$0x0], $0xffff;
	v11 =	vadd.s32 $0x1400, v7;
	[tilespmem:s11+$0xFFFFEC30] =	vst v15  }
0x3c: {  	v53 =	vadd.s32 $0x1000, v2;
	v13 =	vld.idx.msk [tilespmem:v48+s2+$0x0], $0xffff;
	[tilespmem:s11+$0xFFFFEC20] =	vst v14  }
0x3d: {  	v51 =	vadd.s32 $0x1000, v6;
	v16 =	vld.idx.msk [tilespmem:v49+s2+$0x0], $0xffff;
	[tilespmem:s11+$0xFFFFF070] =	vst v18  }
0x3e: {  	v54 =	vadd.s32 $0x1000, v1;
	v14 =	vld.idx.msk [tilespmem:v52+s2+$0x0], $0xffff;
	[tilespmem:s11+$0xFFFFF010] =	vst v17  }
0x3f: {  	v8 =	vld.idx.msk [tilespmem:v8+s2+$0x0], $0xffff;
	[tilespmem:s11+$0xFFFFEC40] =	vst v10;
	v10 =	vadd.s32 $0x1400, v5  }
0x40: {  	[tilespmem:s11+$0xFFFFEC00] =	vst v9;
	v9 =	vadd.s32 $0x1000, v0;
	v11 =	vld.idx.msk [tilespmem:v11+s2+$0x0], $0xffff  }
0x41: {  	v57 =	vadd.s32 $0x1400, v4;
	[tilespmem:s11+$0xFFFFEC50] =	vst v13;
	v15 =	vld.idx.msk [tilespmem:v53+s2+$0x0], $0xffff  }
0x42: {  	v55 =	vadd.s32 $0x1800, v7;
	v12 =	vld.idx.msk [tilespmem:v51+s2+$0x0], $0xffff;
	[tilespmem:s11+$0xFFFFEC60] =	vst v16  }
0x43: {  	v56 =	vadd.s32 $0x1400, v6;
	v18 =	vld.idx.msk [tilespmem:v54+s2+$0x0], $0xffff;
	[tilespmem:s11+$0xFFFFF030] =	vst v14  }
0x44: {  	v58 =	vadd.s32 $0x1400, v1;
	[tilespmem:s11+$0xFFFFF020] =	vst v8;
	v10 =	vld.idx.msk [tilespmem:v10+s2+$0x0], $0xffff  }
0x45: {  	v8 =	vadd.s32 $0x1400, v3;
	v9 =	vld.idx.msk [tilespmem:v9+s2+$0x0], $0xffff;
	[tilespmem:s11+$0xFFFFF470] =	vst v11  }
0x46: {  	v11 =	vadd.s32 $0x1400, v2;
	v17 =	vld.idx.msk [tilespmem:v57+s2+$0x0], $0xffff;
	[tilespmem:s11+$0xFFFFF040] =	vst v15  }
0x47: {  	v59 =	vadd.s32 $0x1400, v0;
	[tilespmem:s11+$0xFFFFF000] =	vst v12;
	v13 =	vld.idx.msk [tilespmem:v55+s2+$0x0], $0xffff  }
0x48: {  	v60 =	vadd.s32 $0x1C00, v7;
	[tilespmem:s11+$0xFFFFF050] =	vst v18;
	v16 =	vld.idx.msk [tilespmem:v56+s2+$0x0], $0xffff  }
0x49: {  	v61 =	vadd.s32 $0x1800, v6;
	v12 =	vld.idx.msk [tilespmem:v58+s2+$0x0], $0xffff;
	[tilespmem:s11+$0xFFFFF410] =	vst v10  }
0x4a: {  	v21 =	vadd.s32 $0x1800, v1;
	v8 =	vld.idx.msk [tilespmem:v8+s2+$0x0], $0xffff;
	[tilespmem:s11+$0xFFFFF060] =	vst v9  }
0x4b: {  	v10 =	vadd.s32 $0x1800, v4;
	v11 =	vld.idx.msk [tilespmem:v11+s2+$0x0], $0xffff;
	[tilespmem:s11+$0xFFFFF420] =	vst v17  }
0x4c: {  	v9 =	vadd.s32 $0x1800, v5;
	[tilespmem:s11+$0xFFFFF870] =	vst v13;
	v14 =	vld.idx.msk [tilespmem:v59+s2+$0x0], $0xffff  }
0x4d: {  	v62 =	vadd.s32 $0x1800, v3;
	[tilespmem:s11+$0xFFFFF400] =	vst v16;
	v15 =	vld.idx.msk [tilespmem:v60+s2+$0x0], $0xffff  }
0x4e: {  	v63 =	vadd.s32 $0x1800, v2;
	[tilespmem:s11+$0xFFFFF450] =	vst v12;
	v18 =	vld.idx.msk [tilespmem:v61+s2+$0x0], $0xffff  }
0x4f: {  	v17 =	vld.idx.msk [tilespmem:v21+s2+$0x0], $0xffff;
	[tilespmem:s11+$0xFFFFF430] =	vst v8;
	v8 =	vadd.s32 $0x2000, v7  }
0x50: {  	v22 =	vadd.s32 $0x1C00, v6;
	v10 =	vld.idx.msk [tilespmem:v10+s2+$0x0], $0xffff;
	[tilespmem:s11+$0xFFFFF440] =	vst v11  }
0x51: {  	v9 =	vld.idx.msk [tilespmem:v9+s2+$0x0], $0xffff;
	v11 =	vadd.s32 $0x1800, v0;
	[tilespmem:s11+$0xFFFFF460] =	vst v14  }
0x52: {  	v24 =	vadd.s32 $0x1C00, v4;
	v13 =	vld.idx.msk [tilespmem:v62+s2+$0x0], $0xffff;
	[tilespmem:s11+$0xFFFFFC70] =	vst v15  }
0x53: {  	v26 =	vadd.s32 $0x1C00, v1;
	v16 =	vld.idx.msk [tilespmem:v63+s2+$0x0], $0xffff;
	[tilespmem:s11+$0xFFFFF800] =	vst v18  }
0x54: {  	v23 =	vadd.s32 $0x1C00, v5;
	[tilespmem:s11+$0xFFFFF850] =	vst v17;
	v8 =	vld.idx.msk [tilespmem:v8+s2+$0x0], $0xffff  }
0x55: {  	v25 =	vadd.s32 $0x1C00, v3;
	v12 =	vld.idx.msk [tilespmem:v22+s2+$0x0], $0xffff;
	[tilespmem:s11+$0xFFFFF820] =	vst v10  }
0x56: {  	[tilespmem:s11+$0xFFFFF810] =	vst v9;
	v9 =	vadd.s32 $0x1C00, v2;
	v11 =	vld.idx.msk [tilespmem:v11+s2+$0x0], $0xffff  }
0x57: {  	v10 =	vadd.s32 $0x2400, v7;
	[tilespmem:s11+$0xFFFFF830] =	vst v13;
	v15 =	vld.idx.msk [tilespmem:v24+s2+$0x0], $0xffff  }
0x58: {  	v28 =	vadd.s32 $0x2000, v6;
	v13 =	vld.idx.msk [tilespmem:v26+s2+$0x0], $0xffff;
	[tilespmem:s11+$0xFFFFF840] =	vst v16  }
0x59: {  	v27 =	vadd.s32 $0x1C00, v0;
	v14 =	vld.idx.msk [tilespmem:v23+s2+$0x0], $0xffff;
	[tilespmem:s11+$0x70] =	vst v8  }
0x5a: {  	v33 =	vadd.s32 $0x2000, v1;
	v18 =	vld.idx.msk [tilespmem:v25+s2+$0x0], $0xffff;
	[tilespmem:s11+$0xFFFFFC00] =	vst v12  }
0x5b: {  	v29 =	vadd.s32 $0x2000, v3;
	v9 =	vld.idx.msk [tilespmem:v9+s2+$0x0], $0xffff;
	[tilespmem:s11+$0xFFFFF860] =	vst v11  }
0x5c: {  	v8 =	vadd.s32 $0x2000, v5;
	v10 =	vld.idx.msk [tilespmem:v10+s2+$0x0], $0xffff;
	[tilespmem:s11+$0xFFFFFC20] =	vst v15  }
0x5d: {  	v11 =	vadd.s32 $0x2000, v4;
	v17 =	vld.idx.msk [tilespmem:v28+s2+$0x0], $0xffff;
	[tilespmem:s11+$0xFFFFFC50] =	vst v13  }
0x5e: {  	v31 =	vadd.s32 $0x2800, v7;
	[tilespmem:s11+$0xFFFFFC10] =	vst v14;
	v30 =	vld.idx.msk [tilespmem:v27+s2+$0x0], $0xffff  }
0x5f: {  	v32 =	vadd.s32 $0x2000, v2;
	[tilespmem:s11+$0xFFFFFC30] =	vst v18;
	v36 =	vld.idx.msk [tilespmem:v33+s2+$0x0], $0xffff  }
0x60: {  	v38 =	vadd.s32 $0x2400, v1;
	v12 =	vld.idx.msk [tilespmem:v29+s2+$0x0], $0xffff;
	[tilespmem:s11+$0xFFFFFC40] =	vst v9  }
0x61: {  	v8 =	vld.idx.msk [tilespmem:v8+s2+$0x0], $0xffff;
	v9 =	vadd.s32 $0x2000, v0;
	[tilespmem:s11+$0x470] =	vst v10  }
0x62: {  	v11 =	vld.idx.msk [tilespmem:v11+s2+$0x0], $0xffff;
	v10 =	vadd.s32 $0x2400, v6;
	[tilespmem:s11+$0x0] =	vst v17  }
0x63: {  	v34 =	vadd.s32 $0x2400, v5;
	v16 =	vld.idx.msk [tilespmem:v31+s2+$0x0], $0xffff;
	[tilespmem:s11+$0xFFFFFC60] =	vst v30  }
0x64: {  	v35 =	vadd.s32 $0x2400, v4;
	v15 =	vld.idx.msk [tilespmem:v32+s2+$0x0], $0xffff;
	[tilespmem:s11+$0x50] =	vst v36  }
0x65: {  	v37 =	vadd.s32 $0x2C00, v7;
	[tilespmem:s11+$0x30] =	vst v12;
	v12 =	vld.idx.msk [tilespmem:v38+s2+$0x0], $0xffff  }
0x66: {  	[tilespmem:s11+$0x10] =	vst v8;
	v8 =	vadd.s32 $0x2400, v3;
	v9 =	vld.idx.msk [tilespmem:v9+s2+$0x0], $0xffff  }
0x67: {  	[tilespmem:s11+$0x20] =	vst v11;
	v11 =	vadd.s32 $0x2400, v2;
	v10 =	vld.idx.msk [tilespmem:v10+s2+$0x0], $0xffff  }
0x68: {  	v39 =	vadd.s32 $0x2400, v0;
	v13 =	vld.idx.msk [tilespmem:v34+s2+$0x0], $0xffff;
	[tilespmem:s11+$0x870] =	vst v16  }
0x69: {  	v40 =	vadd.s32 $0x2800, v6;
	v14 =	vld.idx.msk [tilespmem:v35+s2+$0x0], $0xffff;
	[tilespmem:s11+$0x40] =	vst v15  }
0x6a: {  	v41 =	vadd.s32 $0x2800, v5;
	v18 =	vld.idx.msk [tilespmem:v37+s2+$0x0], $0xffff;
	[tilespmem:s11+$0x450] =	vst v12  }
0x6b: {  	v44 =	vadd.s32 $0x2800, v1;
	v8 =	vld.idx.msk [tilespmem:v8+s2+$0x0], $0xffff;
	[tilespmem:s11+$0x60] =	vst v9  }
0x6c: {  	v11 =	vld.idx.msk [tilespmem:v11+s2+$0x0], $0xffff;
	v9 =	vadd.s32 $0x3000, v7;
	[tilespmem:s11+$0x400] =	vst v10  }
0x6d: {  	v10 =	vadd.s32 $0x2800, v4;
	[tilespmem:s11+$0x410] =	vst v13;
	v16 =	vld.idx.msk [tilespmem:v39+s2+$0x0], $0xffff  }
0x6e: {  	v42 =	vadd.s32 $0x2800, v3;
	[tilespmem:s11+$0x420] =	vst v14;
	v15 =	vld.idx.msk [tilespmem:v40+s2+$0x0], $0xffff  }
0x6f: {  	v43 =	vadd.s32 $0x2800, v2;
	v17 =	vld.idx.msk [tilespmem:v41+s2+$0x0], $0xffff;
	[tilespmem:s11+$0xC70] =	vst v18  }
0x70: {  	v46 =	vadd.s32 $0x2C00, v5;
	v18 =	vld.idx.msk [tilespmem:v44+s2+$0x0], $0xffff;
	[tilespmem:s11+$0x430] =	vst v8  }
0x71: {  	v8 =	vadd.s32 $0x2800, v0;
	v9 =	vld.idx.msk [tilespmem:v9+s2+$0x0], $0xffff;
	[tilespmem:s11+$0x440] =	vst v11  }
0x72: {  	v11 =	vadd.s32 $0x2C00, v6;
	v10 =	vld.idx.msk [tilespmem:v10+s2+$0x0], $0xffff;
	[tilespmem:s11+$0x460] =	vst v16  }
0x73: {  	v45 =	vadd.s32 $0x3400, v7;
	v13 =	vld.idx.msk [tilespmem:v42+s2+$0x0], $0xffff;
	[tilespmem:s11+$0x800] =	vst v15  }
0x74: {  	v47 =	vadd.s32 $0x2C00, v4;
	v14 =	vld.idx.msk [tilespmem:v43+s2+$0x0], $0xffff;
	[tilespmem:s11+$0x810] =	vst v17  }
0x75: {  	v48 =	vadd.s32 $0x2C00, v3;
	v16 =	vld.idx.msk [tilespmem:v46+s2+$0x0], $0xffff;
	[tilespmem:s11+$0x850] =	vst v18  }
0x76: {  	v8 =	vld.idx.msk [tilespmem:v8+s2+$0x0], $0xffff;
	[tilespmem:s11+$0x1070] =	vst v9;
	v9 =	vadd.s32 $0x2C00, v2  }
0x77: {  	v11 =	vld.idx.msk [tilespmem:v11+s2+$0x0], $0xffff;
	[tilespmem:s11+$0x820] =	vst v10;
	v10 =	vadd.s32 $0x2C00, v1  }
0x78: {  	v49 =	vadd.s32 $0x2C00, v0;
	[tilespmem:s11+$0x830] =	vst v13;
	v12 =	vld.idx.msk [tilespmem:v45+s2+$0x0], $0xffff  }
0x79: {  	v51 =	vadd.s32 $0x3000, v6;
	v15 =	vld.idx.msk [tilespmem:v47+s2+$0x0], $0xffff;
	[tilespmem:s11+$0x840] =	vst v14  }
0x7a: {  	v50 =	vadd.s32 $0x3800, v7;
	v17 =	vld.idx.msk [tilespmem:v48+s2+$0x0], $0xffff;
	[tilespmem:s11+$0xC10] =	vst v16  }
0x7b: {  	v52 =	vadd.s32 $0x3000, v3;
	[tilespmem:s11+$0x860] =	vst v8;
	v9 =	vld.idx.msk [tilespmem:v9+s2+$0x0], $0xffff  }
0x7c: {  	v8 =	vadd.s32 $0x3000, v5;
	[tilespmem:s11+$0xC00] =	vst v11;
	v10 =	vld.idx.msk [tilespmem:v10+s2+$0x0], $0xffff  }
0x7d: {  	v11 =	vadd.s32 $0x3000, v4;
	v13 =	vld.idx.msk [tilespmem:v49+s2+$0x0], $0xffff;
	[tilespmem:s11+$0x1470] =	vst v12  }
0x7e: {  	v53 =	vadd.s32 $0x3000, v2;
	[tilespmem:s11+$0xC20] =	vst v15;
	v18 =	vld.idx.msk [tilespmem:v51+s2+$0x0], $0xffff  }
0x7f: {  	v54 =	vadd.s32 $0x3000, v1;
	[tilespmem:s11+$0xC30] =	vst v17;
	v14 =	vld.idx.msk [tilespmem:v50+s2+$0x0], $0xffff  }
0x80: {  	v7 =	vadd.s32 $0x3C00, v7;
	v12 =	vld.idx.msk [tilespmem:v52+s2+$0x0], $0xffff;
	[tilespmem:s11+$0xC40] =	vst v9  }
0x81: {  	v57 =	vadd.s32 $0x3400, v3;
	v8 =	vld.idx.msk [tilespmem:v8+s2+$0x0], $0xffff;
	[tilespmem:s11+$0xC50] =	vst v10  }
0x82: {  	v9 =	vadd.s32 $0x3000, v0;
	v11 =	vld.idx.msk [tilespmem:v11+s2+$0x0], $0xffff;
	[tilespmem:s11+$0xC60] =	vst v13  }
0x83: {  	v10 =	vadd.s32 $0x3400, v6;
	v16 =	vld.idx.msk [tilespmem:v53+s2+$0x0], $0xffff;
	[tilespmem:s11+$0x1000] =	vst v18  }
0x84: {  	v55 =	vadd.s32 $0x3400, v5;
	v15 =	vld.idx.msk [tilespmem:v54+s2+$0x0], $0xffff;
	[tilespmem:s11+$0x1870] =	vst v14  }
0x85: {  	v56 =	vadd.s32 $0x3400, v4;
	[tilespmem:s11+$0x1030] =	vst v12;
	v7 =	vld.idx.msk [tilespmem:v7+s2+$0x0], $0xffff  }
0x86: {  	v17 =	vld.idx.msk [tilespmem:v57+s2+$0x0], $0xffff;
	[tilespmem:s11+$0x1010] =	vst v8;
	v8 =	vadd.s32 $0x3400, v2  }
0x87: {  	v9 =	vld.idx.msk [tilespmem:v9+s2+$0x0], $0xffff;
	[tilespmem:s11+$0x1020] =	vst v11;
	v11 =	vadd.s32 $0x3400, v1  }
0x88: {  	v58 =	vadd.s32 $0x3400, v0;
	v10 =	vld.idx.msk [tilespmem:v10+s2+$0x0], $0xffff  }
0x89: {  	v59 =	vadd.s32 $0x3800, v6;
	v13 =	vld.idx.msk [tilespmem:v55+s2+$0x0], $0xffff;
	[tilespmem:s11+$0x1040] =	vst v16  }
0x8a: {  	v60 =	vadd.s32 $0x3800, v5;
	v14 =	vld.idx.msk [tilespmem:v56+s2+$0x0], $0xffff;
	[tilespmem:s11+$0x1050] =	vst v15  }
0x8b: {  	[tilespmem:s11+$0x1C70] =	vst v7;
	v7 =	vadd.s32 $0x3800, v4;
	v8 =	vld.idx.msk [tilespmem:v8+s2+$0x0], $0xffff  }
0x8c: {  	[tilespmem:s11+$0x1060] =	vst v9;
	v9 =	vadd.s32 $0x3800, v3;
	v11 =	vld.idx.msk [tilespmem:v11+s2+$0x0], $0xffff  }
0x8d: {  	[tilespmem:s11+$0x1400] =	vst v10;
	v10 =	vadd.s32 $0x3800, v2;
	v12 =	vld.idx.msk [tilespmem:v58+s2+$0x0], $0xffff  }
0x8e: {  	v61 =	vadd.s32 $0x3800, v1;
	[tilespmem:s11+$0x1410] =	vst v13;
	v16 =	vld.idx.msk [tilespmem:v59+s2+$0x0], $0xffff  }
0x8f: {  	v62 =	vadd.s32 $0x3800, v0;
	[tilespmem:s11+$0x1420] =	vst v14;
	v15 =	vld.idx.msk [tilespmem:v60+s2+$0x0], $0xffff  }
0x90: {  	v6 =	vadd.s32 $0x3C00, v6;
	[tilespmem:s11+$0x1430] =	vst v17;
	v7 =	vld.idx.msk [tilespmem:v7+s2+$0x0], $0xffff  }
0x91: {  	v5 =	vadd.s32 $0x3C00, v5;
	[tilespmem:s11+$0x1440] =	vst v8;
	v8 =	vld.idx.msk [tilespmem:v9+s2+$0x0], $0xffff  }
0x92: {  	v4 =	vadd.s32 $0x3C00, v4;
	[tilespmem:s11+$0x1450] =	vst v11;
	v9 =	vld.idx.msk [tilespmem:v10+s2+$0x0], $0xffff  }
0x93: {  	v3 =	vadd.s32 $0x3C00, v3;
	[tilespmem:s11+$0x1460] =	vst v12;
	v10 =	vld.idx.msk [tilespmem:v61+s2+$0x0], $0xffff  }
0x94: {  	v11 =	vadd.s32 $0x3C00, v2;
	[tilespmem:s11+$0x1800] =	vst v16;
	v12 =	vld.idx.msk [tilespmem:v62+s2+$0x0], $0xffff  }
0x95: {  	v1 =	vadd.s32 $0x3C00, v1;
	[tilespmem:s11+$0x1810] =	vst v15;
	v6 =	vld.idx.msk [tilespmem:v6+s2+$0x0], $0xffff  }
0x96: {  	v63 =	vadd.s32 $0x3C00, v0;
	v2 =	vld.idx.msk [tilespmem:v5+s2+$0x0], $0xffff;
	[tilespmem:s11+$0x1820] =	vst v7  }
0x97: {  	v0 =	vld.idx.msk [tilespmem:v4+s2+$0x0], $0xffff;
	[tilespmem:s11+$0x1830] =	vst v8  }
0x98: {  	[tilespmem:s11+$0x1840] =	vst v9;
	v3 =	vld.idx.msk [tilespmem:v3+s2+$0x0], $0xffff  }
0x99: {  	[tilespmem:s11+$0x1850] =	vst v10;
	v7 =	vld.idx.msk [tilespmem:v11+s2+$0x0], $0xffff  }
0x9a: {  	[tilespmem:s11+$0x1860] =	vst v12;
	v8 =	vld.idx.msk [tilespmem:v1+s2+$0x0], $0xffff  }
0x9b: {  	s12 =	simm.s32 $0x0;
	s13 =	simm.s32 $0x40C0;
	[tilespmem:s11+$0x1C00] =	vst v6;
	v1 =	vld.idx.msk [tilespmem:v63+s2+$0x0], $0xffff  }
.LBB2_2:
0x9c: {  	_ = 	snop  }
0x9d: {  	v6 =	vld [tilespmem:s13+$0x30];
	[tilespmem:s11+$0x1C10] =	vst v2  }
0x9e: {  	[tilespmem:s11+$0x1C20] =	vst v0;
	v0 =	vld [tilespmem:s13+$0xFFFFFFC0]  }
0x9f: {  	v2 =	vld [tilespmem:s13+$0xFFFFFFD0]  }
0xa0: {  	[tilespmem:s11+$0x1C30] =	vst v3;
	v5 =	vld [tilespmem:s13+$0xFFFFFFE0]  }
0xa1: {  	[tilespmem:s11+$0x1C40] =	vst v7;
	v3 =	vld [tilespmem:s13+$0xFFFFFFF0]  }
0xa2: {  	[tilespmem:s11+$0x1C50] =	vst v8;
	v4 =	vld [tilespmem:s13+$0x0]  }
0xa3: {  	[tilespmem:s11+$0x1C60] =	vst v1;
	v59 =	vld [tilespmem:s13+$0x10]  }
0xa4: {  	v1 =	vld [tilespmem:s13+$0x20];
	_ =	sdelay $0x1  }
0xa5: {  	v17 =	vld.idx.msk [tilespmem:v6+s2+$0x0], $0xffff  }
0xa6: {  	v47 =	vld.idx.msk [tilespmem:v0+s2+$0x0], $0xffff  }
0xa7: {  	v8 =	vadd.s32 $0x2400, v0;
	v18 =	vld.idx.msk [tilespmem:v2+s2+$0x0], $0xffff  }
0xa8: {  	v25 =	vadd.s32 $0x400, v6;
	v7 =	vadd.s32 $0x1C00, v1;
	[tilespmem:$0x1FE00] =	vst v8;
	v23 =	vld.idx.msk [tilespmem:v5+s2+$0x0], $0xffff  }
0xa9: {  	s11 =	sadd.s32 $0x80, s11;
	v53 =	vadd.s32 $0x400, v0;
	[tilespmem:$0x1FDF0] =	vst v7;
	v27 =	vld.idx.msk [tilespmem:v3+s2+$0x0], $0xffff  }
0xaa: {  	v22 =	vadd.s32 $0x400, v2;
	v41 =	vld.idx.msk [tilespmem:v4+s2+$0x0], $0xffff;
	[tilespmem:s11+$0xFFFFE070] =	vst v17  }
0xab: {  	v29 =	vadd.s32 $0x400, v5;
	v43 =	vld.idx.msk [tilespmem:v59+s2+$0x0], $0xffff;
	[tilespmem:s11+$0xFFFFE000] =	vst v47  }
0xac: {  	v31 =	vadd.s32 $0x400, v3;
	v45 =	vld.idx.msk [tilespmem:v1+s2+$0x0], $0xffff;
	[tilespmem:s11+$0xFFFFE010] =	vst v18  }
0xad: {  	v32 =	vadd.s32 $0x400, v4;
	v46 =	vld.idx.msk [tilespmem:v25+s2+$0x0], $0xffff;
	[tilespmem:s11+$0xFFFFE020] =	vst v23  }
0xae: {  	v40 =	vadd.s32 $0x400, v59;
	[tilespmem:s11+$0xFFFFE030] =	vst v27;
	v11 =	vld.idx.msk [tilespmem:v53+s2+$0x0], $0xffff  }
0xaf: {  	[tilespmem:s11+$0xFFFFE040] =	vst v41;
	v48 =	vld.idx.msk [tilespmem:v22+s2+$0x0], $0xffff  }
0xb0: {  	v42 =	vadd.s32 $0x400, v1;
	[tilespmem:s11+$0xFFFFE050] =	vst v43;
	v50 =	vld.idx.msk [tilespmem:v29+s2+$0x0], $0xffff  }
0xb1: {  	v49 =	vadd.s32 $0x800, v6;
	[tilespmem:s11+$0xFFFFE060] =	vst v45;
	v51 =	vld.idx.msk [tilespmem:v31+s2+$0x0], $0xffff  }
0xb2: {  	v12 =	vld.idx.msk [tilespmem:v32+s2+$0x0], $0xffff;
	[tilespmem:s11+$0xFFFFE470] =	vst v46  }
0xb3: {  	v44 =	vld.idx.msk [tilespmem:v40+s2+$0x0], $0xffff;
	[tilespmem:s11+$0xFFFFE400] =	vst v11  }
0xb4: {  	[tilespmem:s11+$0xFFFFE410] =	vst v48  }
0xb5: {  	v9 =	vld.idx.msk [tilespmem:v42+s2+$0x0], $0xffff;
	[tilespmem:s11+$0xFFFFE420] =	vst v50  }
0xb6: {  	v10 =	vld.idx.msk [tilespmem:v49+s2+$0x0], $0xffff;
	[tilespmem:s11+$0xFFFFE430] =	vst v51  }
0xb7: {  	[tilespmem:s11+$0xFFFFE440] =	vst v12  }
0xb8: {  	v36 =	vadd.s32 $0x800, v2;
	v11 =	vadd.s32 $0x2800, v4;
	[tilespmem:s11+$0xFFFFE450] =	vst v44  }
0xb9: {  	[tilespmem:$0x1FE80] =	vst v11  }
0xba: {  	[tilespmem:s11+$0xFFFFE460] =	vst v9  }
0xbb: {  	v13 =	vadd.s32 $0x800, v0;
	v11 =	vadd.s32 $0x2800, v59;
	[tilespmem:s11+$0xFFFFE870] =	vst v10  }
0xbc: {  	v44 =	vadd.s32 $0x2C00, v59;
	[tilespmem:$0x1FE90] =	vst v11  }
0xbd: {  	v8 =	vld.idx.msk [tilespmem:v36+s2+$0x0], $0xffff;
	v36 =	vadd.s32 $0x2400, v5;
	[tilespmem:$0x1FEF0] =	vst v44  }
0xbe: {  	v37 =	vadd.s32 $0x800, v5;
	v44 =	vadd.s32 $0x3000, v2;
	[tilespmem:$0x1FE10] =	vst v36  }
0xbf: {  	v38 =	vadd.s32 $0x800, v3;
	v36 =	vadd.s32 $0x2400, v3;
	[tilespmem:$0x1FF20] =	vst v44  }
0xc0: {  	v39 =	vadd.s32 $0x800, v4;
	v13 =	vld.idx.msk [tilespmem:v13+s2+$0x0], $0xffff;
	v44 =	vadd.s32 $0x3000, v4;
	[tilespmem:$0x1FE20] =	vst v36  }
0xc1: {  	v14 =	vadd.s32 $0x800, v1;
	v36 =	vadd.s32 $0x2400, v59;
	[tilespmem:$0x1FF50] =	vst v44  }
0xc2: {  	v44 =	vadd.s32 $0x3000, v1;
	[tilespmem:$0x1FE30] =	vst v36  }
0xc3: {  	v37 =	vld.idx.msk [tilespmem:v37+s2+$0x0], $0xffff;
	v36 =	vadd.s32 $0x2400, v1;
	[tilespmem:$0x1FF70] =	vst v44  }
0xc4: {  	v12 =	vld.idx.msk [tilespmem:v38+s2+$0x0], $0xffff;
	[tilespmem:$0x1FE40] =	vst v36  }
0xc5: {  	v7 =	vadd.s32 $0xC00, v6;
	v39 =	vld.idx.msk [tilespmem:v39+s2+$0x0], $0xffff;
	v36 =	vadd.s32 $0x2800, v0;
	[tilespmem:s11+$0xFFFFE800] =	vst v13  }
0xc6: {  	v14 =	vld.idx.msk [tilespmem:v14+s2+$0x0], $0xffff;
	[tilespmem:$0x1FE50] =	vst v36  }
0xc7: {  	[tilespmem:s11+$0xFFFFE810] =	vst v8  }
0xc8: {  	[tilespmem:s11+$0xFFFFE820] =	vst v37  }
0xc9: {  	[tilespmem:s11+$0xFFFFE830] =	vst v12  }
0xca: {  	v11 =	vld.idx.msk [tilespmem:v7+s2+$0x0], $0xffff;
	[tilespmem:s11+$0xFFFFE840] =	vst v39  }
0xcb: {  	v36 =	vadd.s32 $0x2800, v2;
	[tilespmem:s11+$0xFFFFE860] =	vst v14  }
0xcc: {  	v8 =	vadd.s32 $0x2C00, v5;
	[tilespmem:$0x1FE60] =	vst v36  }
0xcd: {  	v37 =	vadd.s32 $0x2C00, v4;
	[tilespmem:$0x1FEC0] =	vst v8  }
0xce: {  	[tilespmem:$0x1FEE0] =	vst v37  }
0xcf: {  	v36 =	vadd.s32 $0x2800, v5;
	[tilespmem:s11+$0xFFFFEC70] =	vst v11  }
0xd0: {  	v8 =	vadd.s32 $0x2C00, v3;
	[tilespmem:$0x1FE70] =	vst v36  }
0xd1: {  	v19 =	vadd.s32 $0xC00, v5;
	v37 =	vadd.s32 $0x3000, v0;
	[tilespmem:$0x1FED0] =	vst v8  }
0xd2: {  	v21 =	vadd.s32 $0xC00, v3;
	v11 =	vadd.s32 $0x3400, v5;
	[tilespmem:$0x1FF10] =	vst v37  }
0xd3: {  	v24 =	vadd.s32 $0xC00, v1;
	v36 =	vadd.s32 $0x2C00, v1;
	[tilespmem:$0x1FFA0] =	vst v11  }
0xd4: {  	v15 =	vadd.s32 $0x800, v59;
	v37 =	vadd.s32 $0x3000, v3;
	[tilespmem:$0x1FF00] =	vst v36  }
0xd5: {  	v20 =	vadd.s32 $0xC00, v2;
	v11 =	vadd.s32 $0x3400, v3;
	[tilespmem:$0x1FF40] =	vst v37  }
0xd6: {  	v12 =	vld.idx.msk [tilespmem:v19+s2+$0x0], $0xffff;
	v36 =	vadd.s32 $0x3000, v5;
	[tilespmem:$0x1FFB0] =	vst v11  }
0xd7: {  	v19 =	vld.idx.msk [tilespmem:v21+s2+$0x0], $0xffff;
	v37 =	vadd.s32 $0x3400, v0;
	[tilespmem:$0x1FF30] =	vst v36  }
0xd8: {  	v16 =	vadd.s32 $0xC00, v0;
	v9 =	vadd.s32 $0x1000, v6;
	v44 =	vld.idx.msk [tilespmem:v24+s2+$0x0], $0xffff;
	v11 =	vadd.s32 $0x3400, v4;
	[tilespmem:$0x1FF80] =	vst v37  }
0xd9: {  	v54 =	vadd.s32 $0x1000, v0;
	v56 =	vadd.s32 $0x1400, v0;
	v8 =	vld.idx.msk [tilespmem:v15+s2+$0x0], $0xffff;
	v36 =	vadd.s32 $0x3000, v59;
	[tilespmem:$0x1FFC0] =	vst v11  }
0xda: {  	v57 =	vadd.s32 $0x1800, v0;
	v61 =	vadd.s32 $0x1C00, v0;
	v30 =	vadd.s32 $0x1000, v5;
	v15 =	vld.idx.msk [tilespmem:v20+s2+$0x0], $0xffff;
	[tilespmem:$0x1FF60] =	vst v36  }
0xdb: {  	v33 =	vadd.s32 $0xC00, v4;
	v28 =	vadd.s32 $0xC00, v59;
	v26 =	vadd.s32 $0x1000, v2;
	[tilespmem:s11+$0xFFFFEC20] =	vst v12  }
0xdc: {  	v62 =	vadd.s32 $0x1C00, v5;
	v23 =	vadd.s32 $0x1400, v5;
	v53 =	vadd.s32 $0x2000, v5;
	[tilespmem:s11+$0xFFFFEC30] =	vst v19  }
0xdd: {  	v29 =	vadd.s32 $0x1800, v5;
	v46 =	vadd.s32 $0x2000, v0;
	v7 =	vadd.s32 $0x2C00, v0;
	v9 =	vld.idx.msk [tilespmem:v9+s2+$0x0], $0xffff;
	[tilespmem:s11+$0xFFFFEC60] =	vst v44  }
0xde: {  	v13 =	vadd.s32 $0x1400, v6;
	v21 =	vadd.s32 $0x3800, v0;
	v20 =	vadd.s32 $0x3C00, v0;
	v11 =	vld.idx.msk [tilespmem:v16+s2+$0x0], $0xffff;
	[tilespmem:s11+$0xFFFFE850] =	vst v8  }
0xdf: {  	v0 =	vadd.s32 $0x3C00, v5;
	v37 =	vadd.s32 $0x3800, v5;
	v8 =	vadd.s32 $0x3400, v59;
	[tilespmem:s11+$0xFFFFEC10] =	vst v15;
	v5 =	vld.idx.msk [tilespmem:v30+s2+$0x0], $0xffff  }
0xe0: {  	v35 =	vadd.s32 $0x1000, v1;
	[tilespmem:$0x1FFD0] =	vst v8;
	v8 =	vadd.s32 $0x3400, v1;
	v36 =	vld.idx.msk [tilespmem:v28+s2+$0x0], $0xffff  }
0xe1: {  	v34 =	vadd.s32 $0x1000, v3;
	[tilespmem:$0x1FFE0] =	vst v8;
	v8 =	vld.idx.msk [tilespmem:v33+s2+$0x0], $0xffff  }
0xe2: {  	v18 =	vadd.s32 $0x1000, v59;
	[tilespmem:s11+$0xFFFFF070] =	vst v9;
	v15 =	vld.idx.msk [tilespmem:v26+s2+$0x0], $0xffff  }
0xe3: {  	v17 =	vadd.s32 $0x1400, v2;
	v9 =	vld.idx.msk [tilespmem:v13+s2+$0x0], $0xffff;
	[tilespmem:s11+$0xFFFFEC00] =	vst v11  }
0xe4: {  	v52 =	vadd.s32 $0x1000, v4;
	v63 =	vadd.s32 $0x1C00, v4;
	v11 =	vld.idx.msk [tilespmem:v54+s2+$0x0], $0xffff;
	[tilespmem:s11+$0xFFFFF020] =	vst v5  }
0xe5: {  	v25 =	vadd.s32 $0x1400, v4;
	v27 =	vadd.s32 $0x1400, v59;
	v54 =	vadd.s32 $0x1800, v6;
	v5 =	vld.idx.msk [tilespmem:v35+s2+$0x0], $0xffff;
	[tilespmem:s11+$0xFFFFEC50] =	vst v36  }
0xe6: {  	v41 =	vadd.s32 $0x1800, v4;
	v22 =	vadd.s32 $0x1400, v1;
	v32 =	vadd.s32 $0x1800, v59;
	[tilespmem:s11+$0xFFFFEC40] =	vst v8;
	v8 =	vld.idx.msk [tilespmem:v34+s2+$0x0], $0xffff  }
0xe7: {  	v40 =	vadd.s32 $0x1C00, v59;
	v42 =	vadd.s32 $0x2000, v59;
	v33 =	vadd.s32 $0x3800, v3;
	[tilespmem:s11+$0xFFFFF010] =	vst v15;
	v18 =	vld.idx.msk [tilespmem:v18+s2+$0x0], $0xffff  }
0xe8: {  	v50 =	vadd.s32 $0x2000, v4;
	v38 =	vadd.s32 $0x2400, v4;
	v19 =	vadd.s32 $0x3C00, v4;
	[tilespmem:$0x1FFF0] =	vst v33;
	v15 =	vld.idx.msk [tilespmem:v17+s2+$0x0], $0xffff  }
0xe9: {  	v28 =	vadd.s32 $0x3800, v59;
	v33 =	vadd.s32 $0x3800, v4;
	v4 =	vadd.s32 $0x3C00, v59;
	[tilespmem:s11+$0xFFFFF470] =	vst v9;
	v59 =	vld.idx.msk [tilespmem:v52+s2+$0x0], $0xffff  }
0xea: {  	v9 =	vld.idx.msk [tilespmem:v54+s2+$0x0], $0xffff  }
0xeb: {  	v55 =	vadd.s32 $0x1400, v3;
	[tilespmem:s11+$0xFFFFF000] =	vst v11;
	v52 =	vld [tilespmem:$0x1FE00]  }
0xec: {  	v11 =	vld.idx.msk [tilespmem:v56+s2+$0x0], $0xffff  }
0xed: {  	v56 =	vld [tilespmem:$0x1FE50];
	[tilespmem:s11+$0xFFFFF060] =	vst v5  }
0xee: {  	v26 =	vld.idx.msk [tilespmem:v22+s2+$0x0], $0xffff  }
0xef: {  	[tilespmem:s11+$0xFFFFF030] =	vst v8;
	v8 =	vld.idx.msk [tilespmem:v23+s2+$0x0], $0xffff  }
0xf0: {  	[tilespmem:s11+$0xFFFFF050] =	vst v18;
	v24 =	vld.idx.msk [tilespmem:v55+s2+$0x0], $0xffff  }
0xf1: {  	v5 =	vld.idx.msk [tilespmem:v27+s2+$0x0], $0xffff  }
0xf2: {  	[tilespmem:$0x1FEA0] =	vst v7;
	v23 =	vadd.s32 $0x1C00, v6;
	v55 =	vld [tilespmem:$0x1FE30]  }
0xf3: {  	v58 =	vadd.s32 $0x1800, v2;
	[tilespmem:s11+$0xFFFFF040] =	vst v59;
	v59 =	vld [tilespmem:$0x1FEA0]  }
0xf4: {  	v25 =	vld.idx.msk [tilespmem:v25+s2+$0x0], $0xffff;
	[tilespmem:s11+$0xFFFFF400] =	vst v11  }
0xf5: {  	v11 =	vld.idx.msk [tilespmem:v57+s2+$0x0], $0xffff  }
0xf6: {  	v31 =	vadd.s32 $0x1800, v3;
	[tilespmem:s11+$0xFFFFF870] =	vst v9;
	v57 =	vld [tilespmem:$0x1FE60]  }
0xf7: {  	[tilespmem:s11+$0xFFFFF410] =	vst v15;
	v9 =	vld.idx.msk [tilespmem:v23+s2+$0x0], $0xffff  }
0xf8: {  	[tilespmem:s11+$0xFFFFF420] =	vst v8;
	v8 =	vld.idx.msk [tilespmem:v58+s2+$0x0], $0xffff  }
0xf9: {  	v58 =	vld [tilespmem:$0x1FE80]  }
0xfa: {  	[tilespmem:s11+$0xFFFFF430] =	vst v24;
	v30 =	vld.idx.msk [tilespmem:v29+s2+$0x0], $0xffff  }
0xfb: {  	v43 =	vadd.s32 $0x1800, v1;
	[tilespmem:s11+$0xFFFFF450] =	vst v5;
	v34 =	vld.idx.msk [tilespmem:v31+s2+$0x0], $0xffff  }
0xfc: {  	v27 =	vadd.s32 $0x2000, v6;
	[tilespmem:s11+$0xFFFFF440] =	vst v25;
	v35 =	vld.idx.msk [tilespmem:v32+s2+$0x0], $0xffff  }
0xfd: {  	v45 =	vadd.s32 $0x1C00, v2;
	v5 =	vld.idx.msk [tilespmem:v41+s2+$0x0], $0xffff;
	[tilespmem:s11+$0xFFFFF800] =	vst v11  }
0xfe: {  	[tilespmem:s11+$0xFFFFF460] =	vst v26;
	v11 =	vld.idx.msk [tilespmem:v61+s2+$0x0], $0xffff  }
0xff: {  	v61 =	vld [tilespmem:$0x1FF00];
	[tilespmem:s11+$0xFFFFFC70] =	vst v9  }
0x100: {  	v60 =	vadd.s32 $0x1C00, v3;
	[tilespmem:s11+$0xFFFFF810] =	vst v8;
	v8 =	vld.idx.msk [tilespmem:v43+s2+$0x0], $0xffff  }
0x101: {  	v9 =	vld.idx.msk [tilespmem:v27+s2+$0x0], $0xffff  }
0x102: {  	[tilespmem:s11+$0xFFFFF820] =	vst v30;
	v41 =	vld.idx.msk [tilespmem:v45+s2+$0x0], $0xffff  }
0x103: {  	v43 =	vld.idx.msk [tilespmem:v62+s2+$0x0], $0xffff  }
0x104: {  	[tilespmem:s11+$0xFFFFF830] =	vst v34;
	v62 =	vld [tilespmem:$0x1FF60]  }
0x105: {  	[tilespmem:s11+$0xFFFFF840] =	vst v5;
	v5 =	vld.idx.msk [tilespmem:v60+s2+$0x0], $0xffff  }
0x106: {  	v47 =	vadd.s32 $0x2000, v2;
	v60 =	vld [tilespmem:$0x1FED0]  }
0x107: {  	[tilespmem:s11+$0xFFFFF850] =	vst v35;
	v44 =	vld.idx.msk [tilespmem:v63+s2+$0x0], $0xffff  }
0x108: {  	v36 =	vadd.s32 $0x2400, v6;
	[tilespmem:s11+$0xFFFFFC00] =	vst v11;
	v11 =	vld [tilespmem:$0x1FDF0]  }
0x109: {  	v46 =	vld.idx.msk [tilespmem:v46+s2+$0x0], $0xffff;
	[tilespmem:s11+$0x70] =	vst v9  }
0x10a: {  	v9 =	vld.idx.msk [tilespmem:v40+s2+$0x0], $0xffff;
	[tilespmem:s11+$0xFFFFFC10] =	vst v41  }
0x10b: {  	v48 =	vadd.s32 $0x2000, v3;
	[tilespmem:s11+$0xFFFFFC20] =	vst v43;
	v47 =	vld.idx.msk [tilespmem:v47+s2+$0x0], $0xffff  }
0x10c: {  	v49 =	vadd.s32 $0x2400, v2;
	[tilespmem:s11+$0xFFFFFC30] =	vst v5;
	v5 =	vld.idx.msk [tilespmem:v53+s2+$0x0], $0xffff  }
0x10d: {  	[tilespmem:s11+$0xFFFFF860] =	vst v8;
	v8 =	vld.idx.msk [tilespmem:v36+s2+$0x0], $0xffff  }
0x10e: {  	v53 =	vld [tilespmem:$0x1FE10];
	[tilespmem:s11+$0xFFFFFC40] =	vst v44  }
0x10f: {  	[tilespmem:s11+$0xFFFFFC50] =	vst v9;
	v9 =	vld.idx.msk [tilespmem:v50+s2+$0x0], $0xffff  }
0x110: {  	v45 =	vadd.s32 $0x2800, v6;
	v48 =	vld.idx.msk [tilespmem:v48+s2+$0x0], $0xffff;
	[tilespmem:s11+$0x10] =	vst v47  }
0x111: {  	[tilespmem:s11+$0x20] =	vst v5;
	v5 =	vld.idx.msk [tilespmem:v49+s2+$0x0], $0xffff  }
0x112: {  	[tilespmem:s11+$0x0] =	vst v46;
	v11 =	vld.idx.msk [tilespmem:v11+s2+$0x0], $0xffff  }
0x113: {  	v51 =	vadd.s32 $0x2000, v1;
	v14 =	vld.idx.msk [tilespmem:v52+s2+$0x0], $0xffff;
	[tilespmem:s11+$0x470] =	vst v8  }
0x114: {  	[tilespmem:s11+$0x40] =	vst v9;
	v9 =	vld [tilespmem:$0x1FE20]  }
0x115: {  	v8 =	vld.idx.msk [tilespmem:v45+s2+$0x0], $0xffff  }
0x116: {  	v50 =	vadd.s32 $0x2C00, v6;
	[tilespmem:s11+$0x410] =	vst v5;
	v5 =	vld [tilespmem:$0x1FE40]  }
0x117: {  	[tilespmem:s11+$0xFFFFFC60] =	vst v11;
	v11 =	vld.idx.msk [tilespmem:v42+s2+$0x0], $0xffff  }
0x118: {  	v51 =	vld.idx.msk [tilespmem:v51+s2+$0x0], $0xffff  }
0x119: {  	v15 =	vld.idx.msk [tilespmem:v53+s2+$0x0], $0xffff;
	[tilespmem:s11+$0x400] =	vst v14  }
0x11a: {  	v14 =	vld.idx.msk [tilespmem:v56+s2+$0x0], $0xffff;
	[tilespmem:s11+$0x870] =	vst v8  }
0x11b: {  	[tilespmem:s11+$0x30] =	vst v48;
	v8 =	vld.idx.msk [tilespmem:v50+s2+$0x0], $0xffff  }
0x11c: {  	[tilespmem:s11+$0x50] =	vst v11;
	v9 =	vld.idx.msk [tilespmem:v9+s2+$0x0], $0xffff  }
0x11d: {  	v7 =	vadd.s32 $0x2C00, v2;
	v54 =	vadd.s32 $0x3000, v6;
	v11 =	vld.idx.msk [tilespmem:v38+s2+$0x0], $0xffff;
	[tilespmem:s11+$0x60] =	vst v51  }
0x11e: {  	[tilespmem:$0x1FEB0] =	vst v7;
	v5 =	vld.idx.msk [tilespmem:v5+s2+$0x0], $0xffff  }
0x11f: {  	[tilespmem:s11+$0x420] =	vst v15;
	v15 =	vld.idx.msk [tilespmem:v57+s2+$0x0], $0xffff  }
0x120: {  	v7 =	vadd.s32 $0x2800, v1;
	v13 =	vld.idx.msk [tilespmem:v55+s2+$0x0], $0xffff;
	[tilespmem:s11+$0xC70] =	vst v8  }
0x121: {  	[tilespmem:s11+$0x430] =	vst v9;
	v9 =	vld [tilespmem:$0x1FE70]  }
0x122: {  	v10 =	vadd.s32 $0x2800, v3;
	v8 =	vld.idx.msk [tilespmem:v54+s2+$0x0], $0xffff;
	[tilespmem:s11+$0x440] =	vst v11  }
0x123: {  	v11 =	vadd.s32 $0x3400, v6;
	[tilespmem:s11+$0x460] =	vst v5;
	v5 =	vld [tilespmem:$0x1FE90]  }
0x124: {  	v12 =	vld.idx.msk [tilespmem:v58+s2+$0x0], $0xffff  }
0x125: {  	[tilespmem:s11+$0x800] =	vst v14;
	v7 =	vld.idx.msk [tilespmem:v7+s2+$0x0], $0xffff  }
0x126: {  	[tilespmem:s11+$0x450] =	vst v13;
	v13 =	vld.idx.msk [tilespmem:v59+s2+$0x0], $0xffff  }
0x127: {  	v10 =	vld.idx.msk [tilespmem:v10+s2+$0x0], $0xffff;
	[tilespmem:s11+$0x1070] =	vst v8  }
0x128: {  	v8 =	vld.idx.msk [tilespmem:v11+s2+$0x0], $0xffff  }
0x129: {  	v9 =	vld.idx.msk [tilespmem:v9+s2+$0x0], $0xffff  }
0x12a: {  	v11 =	vadd.s32 $0x3800, v6;
	[tilespmem:s11+$0x860] =	vst v7;
	v7 =	vld [tilespmem:$0x1FEF0]  }
0x12b: {  	[tilespmem:s11+$0x840] =	vst v12;
	v5 =	vld.idx.msk [tilespmem:v5+s2+$0x0], $0xffff  }
0x12c: {  	[tilespmem:s11+$0x830] =	vst v10;
	v10 =	vld [tilespmem:$0x1FEC0]  }
0x12d: {  	v12 =	vld.idx.msk [tilespmem:v60+s2+$0x0], $0xffff;
	[tilespmem:s11+$0x1470] =	vst v8  }
0x12e: {  	[tilespmem:s11+$0x820] =	vst v9;
	v9 =	vld [tilespmem:$0x1FEB0]  }
0x12f: {  	v8 =	vld.idx.msk [tilespmem:v11+s2+$0x0], $0xffff  }
0x130: {  	[tilespmem:s11+$0x850] =	vst v5;
	v5 =	vld [tilespmem:$0x1FEE0]  }
0x131: {  	[tilespmem:s11+$0xC00] =	vst v13;
	v13 =	vld.idx.msk [tilespmem:v61+s2+$0x0], $0xffff  }
0x132: {  	v7 =	vld.idx.msk [tilespmem:v7+s2+$0x0], $0xffff  }
0x133: {  	v11 =	vld [tilespmem:$0x1FF30]  }
0x134: {  	[tilespmem:s11+$0x810] =	vst v15;
	v6 =	vadd.s32 $0x3C00, v6;
	v10 =	vld.idx.msk [tilespmem:v10+s2+$0x0], $0xffff  }
0x135: {  	[tilespmem:s11+$0x1870] =	vst v8;
	v8 =	vld [tilespmem:$0x1FF70]  }
0x136: {  	v9 =	vld.idx.msk [tilespmem:v9+s2+$0x0], $0xffff  }
0x137: {  	[tilespmem:s11+$0xC50] =	vst v7;
	v7 =	vld [tilespmem:$0x1FF50]  }
0x138: {  	v5 =	vld.idx.msk [tilespmem:v5+s2+$0x0], $0xffff  }
0x139: {  	v6 =	vld.idx.msk [tilespmem:v6+s2+$0x0], $0xffff  }
0x13a: {  	[tilespmem:s11+$0xC20] =	vst v10;
	v10 =	vld [tilespmem:$0x1FF20]  }
0x13b: {  	[tilespmem:s11+$0xC10] =	vst v9;
	v9 =	vld [tilespmem:$0x1FF10]  }
0x13c: {  	v11 =	vld.idx.msk [tilespmem:v11+s2+$0x0], $0xffff  }
0x13d: {  	[tilespmem:s11+$0xC40] =	vst v5;
	v5 =	vld [tilespmem:$0x1FF40]  }
0x13e: {  	[tilespmem:s11+$0x1C70] =	vst v6;
	v6 =	vld [tilespmem:$0x1FFD0]  }
0x13f: {  	[tilespmem:s11+$0xC30] =	vst v12;
	v7 =	vld.idx.msk [tilespmem:v7+s2+$0x0], $0xffff  }
0x140: {  	[tilespmem:s11+$0xC60] =	vst v13;
	v12 =	vld.idx.msk [tilespmem:v62+s2+$0x0], $0xffff  }
0x141: {  	v8 =	vld.idx.msk [tilespmem:v8+s2+$0x0], $0xffff  }
0x142: {  	v10 =	vld.idx.msk [tilespmem:v10+s2+$0x0], $0xffff  }
0x143: {  	v9 =	vld.idx.msk [tilespmem:v9+s2+$0x0], $0xffff  }
0x144: {  	v39 =	vadd.s32 $0x3400, v2;
	[tilespmem:s11+$0x1040] =	vst v7;
	v7 =	vld [tilespmem:$0x1FFB0]  }
0x145: {  	[tilespmem:$0x1FF90] =	vst v39;
	v5 =	vld.idx.msk [tilespmem:v5+s2+$0x0], $0xffff  }
0x146: {  	[tilespmem:s11+$0x1020] =	vst v11;
	v11 =	vld [tilespmem:$0x1FFC0]  }
0x147: {  	[tilespmem:s11+$0x1010] =	vst v10;
	v10 =	vld [tilespmem:$0x1FF90]  }
0x148: {  	[tilespmem:s11+$0x1000] =	vst v9;
	v9 =	vld [tilespmem:$0x1FF80];
	_ =	sdelay $0x1  }
0x149: {  	[tilespmem:s11+$0x1030] =	vst v5;
	v5 =	vld [tilespmem:$0x1FFA0]  }
0x14a: {  	[tilespmem:s11+$0x1060] =	vst v8;
	v8 =	vld [tilespmem:$0x1FFE0]  }
0x14b: {  	[tilespmem:s11+$0x1050] =	vst v12;
	v7 =	vld.idx.msk [tilespmem:v7+s2+$0x0], $0xffff  }
0x14c: {  	v6 =	vld.idx.msk [tilespmem:v6+s2+$0x0], $0xffff  }
0x14d: {  	v11 =	vld.idx.msk [tilespmem:v11+s2+$0x0], $0xffff  }
0x14e: {  	v10 =	vld.idx.msk [tilespmem:v10+s2+$0x0], $0xffff  }
0x14f: {  	v9 =	vld.idx.msk [tilespmem:v9+s2+$0x0], $0xffff  }
0x150: {  	[tilespmem:s11+$0x1430] =	vst v7;
	v7 =	vld [tilespmem:$0x1FFF0]  }
0x151: {  	v39 =	vadd.s32 $0x3800, v2;
	[tilespmem:s11+$0x1450] =	vst v6;
	v5 =	vld.idx.msk [tilespmem:v5+s2+$0x0], $0xffff  }
0x152: {  	v6 =	vld.idx.msk [tilespmem:v28+s2+$0x0], $0xffff  }
0x153: {  	v8 =	vld.idx.msk [tilespmem:v8+s2+$0x0], $0xffff;
	[tilespmem:s11+$0x1440] =	vst v11  }
0x154: {  	v11 =	vld.idx.msk [tilespmem:v33+s2+$0x0], $0xffff;
	[tilespmem:s11+$0x1400] =	vst v9  }
0x155: {  	v16 =	vadd.s32 $0x3C00, v2;
	v2 =	vadd.s32 $0x3800, v1;
	[tilespmem:s11+$0x1410] =	vst v10;
	v9 =	vld.idx.msk [tilespmem:v21+s2+$0x0], $0xffff  }
0x156: {  	v10 =	vld.idx.msk [tilespmem:v39+s2+$0x0], $0xffff;
	[tilespmem:s11+$0x1420] =	vst v5  }
0x157: {  	[tilespmem:s11+$0x1850] =	vst v6;
	v5 =	vld.idx.msk [tilespmem:v37+s2+$0x0], $0xffff  }
0x158: {  	[tilespmem:s11+$0x1460] =	vst v8;
	v7 =	vld.idx.msk [tilespmem:v7+s2+$0x0], $0xffff  }
0x159: {  	v8 =	vld.idx.msk [tilespmem:v4+s2+$0x0], $0xffff;
	[tilespmem:s11+$0x1840] =	vst v11  }
0x15a: {  	s12 =	sadd.s32 $0x8, s12;
	v3 =	vadd.s32 $0x3C00, v3;
	[tilespmem:s11+$0x1800] =	vst v9;
	v9 =	vld.idx.msk [tilespmem:v2+s2+$0x0], $0xffff  }
0x15b: {  	p0 =	slt.u32 s12, $0x38;
	v1 =	vadd.s32 $0x3C00, v1;
	[tilespmem:s11+$0x1810] =	vst v10;
	v63 =	vld.idx.msk [tilespmem:v20+s2+$0x0], $0xffff  }
.Ltmp0:
0x15c: {  	v2 =	vld.idx.msk [tilespmem:v16+s2+$0x0], $0xffff;
	[tilespmem:s11+$0x1820] =	vst v5;
	(pc) =	sbr.rel @p0 .LBB2_2-.Ltmp0, $4  }
0x15d: {  	[tilespmem:s11+$0x1830] =	vst v7;
	v7 =	vld.idx.msk [tilespmem:v19+s2+$0x0], $0xffff  }
0x15e: {  	v0 =	vld.idx.msk [tilespmem:v0+s2+$0x0], $0xffff  }
0x15f: {  	v3 =	vld.idx.msk [tilespmem:v3+s2+$0x0], $0xffff;
	[tilespmem:s11+$0x1860] =	vst v9  }
0x160: {  	s13 =	sadd.s32 $0x80, s13;
	[tilespmem:s11+$0x1C00] =	vst v63;
	v1 =	vld.idx.msk [tilespmem:v1+s2+$0x0], $0xffff  }
0x161: {  	[tilespmem:s11+$0x1C10] =	vst v2  }
0x162: {  	[tilespmem:s11+$0x1C50] =	vst v8  }
0x163: {  	[tilespmem:s11+$0x1C40] =	vst v7  }
0x164: {  	s10 =	sadd.s32 $0x1, s10;
	[tilespmem:s11+$0x1C20] =	vst v0  }
0x165: {  	p0 =	sne.s32 s10, s6;
	[tilespmem:s11+$0x1C30] =	vst v3  }
.Ltmp1:
0x166: {  	[tilespmem:s11+$0x1C60] =	vst v1;
	(pc) =	sbr.rel @p0 .LBB2_1-.Ltmp1, $4  }
0x167: {  	[hbm4b:s5+s2] =	stream.linear.scatter [tilespmem:s9], [sflag:$0x1], $0x4000, $0x38;
	[tilespmem:$0x8400] =	vst v63  }
0x168: {  	_ =	swait.ge [sflag:s8], $0x4000  }
0x169: {  	[sflag:s8] =	ssyncset.done $0x0  }
0x16a: {  	[sflag:s8] =	ssyncadd.s32 $0xFFFFC000  }
0x16b: {  	_ =	sfence.sel $0x180000  }
0x16c: {  	[bflag:$0x0] =	sbarrier.arrive $0xFFFF  }
0x16d: {  	p0 =	sne.s32 s1, $0x0;
	_ =	strace $0x90000047  }
0x16e: {  	s0 =	sadd.s32 @!p0 $0x100000, s0;
	[bflag:$0x2] =	sbarrier.arrive $0xFFFF  }
0x16f: {  	[sflag:s0] =	ssyncadd.tile.s32 @!p0 $0x1;
	_ =	shalt  }
.Lfunc_end2:
_tile_overlayer_lowered:
.L_overlay_start_2:
0x170: {  	(tag) =	ssettag $0x2  }
0x171: {  	s0 =	rddreg [dreg:$0x0];
	s2 =	stileid.u32  }
0x172: {  	s1 =	rddreg [dreg:$0x1];
	p0 =	sne.s32 s2, $0x0  }
0x173: {  	s3 =	rddreg [dreg:$0x2];
	[bflag:$0x3] =	sbarrier.arrive $0xFFFF;
	s2 =	simm.s32 @!p0 $0x1C01  }
0x174: {  	[timem:s3], [sflag:s2] =	dma.local @!p0 [hbm:s0], s1  }
0x175: {  	s0 =	simm.s32 @!p0 $0x1  }
0x176: {  	_ =	swait.ge @!p0 [sflag:s0], s1  }
0x177: {  	s1 =	ssub.s32 @!p0 $0x0, s1;
	[sflag:s0] =	ssyncset.done @!p0 $0x0  }
0x178: {  	[sflag:s0] =	ssyncadd.s32 @!p0 s1  }
0x179: {  	[bflag:$0x3] =	sbarrier.arrive $0xFFFF  }
0x17a: {  	_ =	shalt  }

// kernel: kernel.9.cloned.1.call-start
scs
__scs_entry_jumppad:
0x0: {  	(pc) =	sbr.rel $0x88, $3  }
0x1: {  	(tag) =	ssettag $0x0;
	lr =	simm.s32 $0x1  }
0x2: {  	[smem:$0x3F9F] =	sst lr;
	_ =	strace $0xD0000000  }
0x3: {  	_ = 	snop  }
0x4: {  	_ = 	snop  }
0x5: {  	_ = 	snop  }
0x6: {  	_ = 	snop  }
0x7: {  	_ = 	snop  }
__scs_overlays_trampoline_lowered:
0x8: {  	[smem:$0x3FAE] =	sst s0  }
0x9: {  	[smem:$0x3FAF] =	sst s1  }
0xa: {  	[smem:$0x3FB0] =	sst s2  }
0xb: {  	[smem:$0x3FB1] =	sst s3  }
0xc: {  	[smem:$0x3FB2] =	sst s4  }
0xd: {  	[smem:$0x3FB3] =	sst s5  }
0xe: {  	[smem:$0x3FB4] =	sst s6  }
0xf: {  	[smem:$0x3FB5] =	sst s7  }
0x10: {  	[smem:$0x3FB6] =	sst s8  }
0x11: {  	[smem:$0x3FB7] =	sst s9;
	s0 =	simm.s32 @!p0 $0x0  }
0x12: {  	s1 =	sld [smem:$0x3F9D];
	s0 =	simm.s32 @p0 $0x1  }
0x13: {  	[smem:$0x3FB8] =	sst s0;
	s0 =	simm.s32 @!p1 $0x0  }
0x14: {  	s2 =	sld [smem:$0x3F9C];
	s0 =	simm.s32 @p1 $0x1  }
0x15: {  	[smem:$0x3FB9] =	sst s0;
	s0 =	simm.s32 @!p2 $0x0  }
0x16: {  	s3 =	sld [smem:$0x3FDB];
	s0 =	simm.s32 @p2 $0x1  }
0x17: {  	s4 =	simm.s32 $0x1BF5;
	[smem:$0x3FBB] =	sst s0  }
0x18: {  	s0 =	sld [smem:$0x3F9E];
	_ =	swait.ge [sflag:s4], $0x0  }
0x19: {  	s7 =	sld [smem:$0x3F9F]  }
0x1a: {  	s8 =	sadd.s32 $0xFFFFE003, lr  }
0x1b: {  	s9 =	sadd.s32 $0xFFFFFEF7, lr;
	s5 =	simm.s32 $0xFFFFFFFF;
	p2 =	slt.u32 s8, $0xFFFFF086  }
0x1c: {  	p1 =	slt.u32 s9, $0xF7A;
	s5 =	simm.s32 @!p2 $0x0  }
0x1d: {  	s5 =	simm.s32 @p1 $0x1;
	p0 =	seq.s32 s7, s2  }
0x1e: {  	s7 =	smul.u32 @!p0 $0xF7A, s2;
	p2 =	seq.s32 @!p0 s5, $0x0  }
0x1f: {  	s9 =	smul.u32 $0xF7A, s1;
	s8 =	simm.s32 @!p0 $0x1BF5;
	p2 =	por !p2, p0  }
0x20: {  	[sflag:s8] =	ssyncset.s32 @!p0 $0xFFFFF086;
	s6 =	sadd.s32 @!p0 s3, s7;
	s7 =	simm.s32 @!p0 $0x108  }
0x21: {  	s3 =	sadd.s32 s3, s9;
	s6 =	sadd.s32 @!p0 $0x88, s6;
	s7 =	simm.s32 @p2 $0x1082  }
0x22: {  	[simem:s7], [sflag:s8] =	dma.local @!p0 [hbm:s6], $0xF7A  }
0x23: {  	s9 =	sor.u32 $0xD0000000, s2;
	s6 =	simm.s32 $0x108;
	_ =	swait.ge @!p0 [sflag:s8], $0x0  }
0x24: {  	s3 =	sadd.s32 $0x88, s3;
	s6 =	simm.s32 @!p1 $0x1082;
	[sflag:s4] =	ssyncset.s32 $0xFFFFF086  }
0x25: {  	[simem:s6], [sflag:s4] =	dma.local [hbm:s3], $0xF7A  }
0x26: {  	[smem:$0x3F9F] =	sst s1;
	(tag) =	ssettag s2;
	_ =	strace s9  }
0x27: {  	s1 =	sld [smem:$0x3FAF]  }
0x28: {  	s2 =	sld [smem:$0x3FB0]  }
0x29: {  	s4 =	sld [smem:$0x3FB2]  }
0x2a: {  	p0 =	seq.s32 s5, $0x0;
	s5 =	sld [smem:$0x3FB3]  }
0x2b: {  	s6 =	sld [smem:$0x3FB4]  }
0x2c: {  	s7 =	sld [smem:$0x3FB5]  }
0x2d: {  	s3 =	simm.s32 $0x108;
	s8 =	sld [smem:$0x3FB6]  }
0x2e: {  	s3 =	simm.s32 @!p0 $0x1082;
	s9 =	sld [smem:$0x3FB7]  }
0x2f: {  	lr =	sadd.s32 s0, s3;
	s0 =	sld [smem:$0x3FAE]  }
0x30: {  	s3 =	sld [smem:$0x3FB1]  }
0x31: {  	[smem:$0x3FBA] =	sst s10  }
0x32: {  	s10 =	sld [smem:$0x3FB8];
	_ =	sdelay $0x3  }
0x33: {  	p0 =	seq.s32 s10, $0x1;
	s10 =	sld [smem:$0x3FBA];
	_ =	sdelay $0x3  }
0x34: {  	[smem:$0x3FBA] =	sst s10  }
0x35: {  	s10 =	sld [smem:$0x3FB9];
	_ =	sdelay $0x3  }
0x36: {  	p1 =	seq.s32 s10, $0x1;
	s10 =	sld [smem:$0x3FBA];
	_ =	sdelay $0x3  }
0x37: {  	[smem:$0x3FBA] =	sst s10  }
0x38: {  	s10 =	sld [smem:$0x3FBB]  }
0x39: {  	_ = 	snop;
	(pc) =	sbr.ind lr, $3  }
0x3a: {  	_ = 	snop  }
0x3b: {  	_ = 	snop  }
0x3c: {  	p2 =	seq.s32 s10, $0x1;
	s10 =	sld [smem:$0x3FBA]  }
0x3d: {  	_ =	shalt  }
0x3e: {  	_ =	shalt  }
0x3f: {  	_ =	shalt  }
0x40: {  	_ =	shalt  }
0x41: {  	_ =	shalt  }
0x42: {  	_ =	shalt  }
0x43: {  	_ =	shalt  }
0x44: {  	_ =	shalt  }
0x45: {  	_ =	shalt  }
0x46: {  	_ =	shalt  }
0x47: {  	_ =	shalt  }
0x48: {  	_ =	shalt  }
0x49: {  	_ =	shalt  }
0x4a: {  	_ =	shalt  }
0x4b: {  	_ =	shalt  }
0x4c: {  	_ =	shalt  }
0x4d: {  	_ =	shalt  }
0x4e: {  	_ =	shalt  }
0x4f: {  	_ =	shalt  }
0x50: {  	_ =	shalt  }
0x51: {  	_ =	shalt  }
0x52: {  	_ =	shalt  }
0x53: {  	_ =	shalt  }
0x54: {  	_ =	shalt  }
0x55: {  	_ =	shalt  }
0x56: {  	_ =	shalt  }
0x57: {  	_ =	shalt  }
0x58: {  	_ =	shalt  }
0x59: {  	_ =	shalt  }
0x5a: {  	_ =	shalt  }
0x5b: {  	_ =	shalt  }
0x5c: {  	_ =	shalt  }
0x5d: {  	_ =	shalt  }
0x5e: {  	_ =	shalt  }
0x5f: {  	_ =	shalt  }
0x60: {  	_ =	shalt  }
0x61: {  	_ =	shalt  }
0x62: {  	_ =	shalt  }
0x63: {  	_ =	shalt  }
0x64: {  	_ =	shalt  }
0x65: {  	_ =	shalt  }
0x66: {  	_ =	shalt  }
0x67: {  	_ =	shalt  }
0x68: {  	_ =	shalt  }
0x69: {  	_ =	shalt  }
0x6a: {  	_ =	shalt  }
0x6b: {  	_ =	shalt  }
0x6c: {  	_ =	shalt  }
0x6d: {  	_ =	shalt  }
0x6e: {  	_ =	shalt  }
0x6f: {  	_ =	shalt  }
0x70: {  	_ =	shalt  }
0x71: {  	_ =	shalt  }
0x72: {  	_ =	shalt  }
0x73: {  	_ =	shalt  }
0x74: {  	_ =	shalt  }
0x75: {  	_ =	shalt  }
0x76: {  	_ =	shalt  }
0x77: {  	_ =	shalt  }
0x78: {  	_ =	shalt  }
0x79: {  	_ =	shalt  }
0x7a: {  	_ =	shalt  }
0x7b: {  	_ =	shalt  }
0x7c: {  	_ =	shalt  }
0x7d: {  	_ =	shalt  }
0x7e: {  	_ =	shalt  }
0x7f: {  	_ =	shalt  }
0x80: {  	_ =	shalt  }
0x81: {  	_ =	shalt  }
0x82: {  	_ =	shalt  }
0x83: {  	_ =	shalt  }
0x84: {  	_ =	shalt  }
0x85: {  	_ =	shalt  }
0x86: {  	_ =	shalt  }
0x87: {  	_ =	shalt  }
.Lfunc_end0:
.L_simem_size_0:
called_computation.1_lowered:
.L_overlay_start_0:
0x88: {  	s2 =	sld [smem:$0x3FD9]  }
0x89: {  	s3 =	sld [smem:$0x3FFE];
	_ =	sdelay $0x1  }
0x8a: {  	s1 =	srdreg.scid  }
0x8b: {  	s0 =	sand.u32 $0x1, s1  }
0x8c: {  	s15 =	sshll.u32 s0, $0xA;
	s2 =	sadd.s32 s3, s2  }
0x8d: {  	s2 =	sadd.s32 s2, s15  }
0x8e: {  	[smem:$0x3FC6] =	sst s2  }
0x8f: {  	_ = 	snop  }
0x90: {  	s2 =	sld [smem:$0x3FD0];
	_ =	sdelay $0x2  }
0x91: {  	s16 =	simm.s32 $0xB;
	s4 =	simm.s32 $0x10  }
0x92: {  	[smem:s4], [sflag:s16] =	dma.local [hbm:s2], $0x1  }
0x93: {  	_ =	swait.eq [sflag:s16], $0x1  }
0x94: {  	[sflag:s16] =	ssyncset.done $0x0  }
0x95: {  	[sflag:s16] =	ssyncadd.s32 $0xFFFFFFFF  }
0x96: {  	s17 =	sld [smem:$0x10];
	(tm) =	ssettm $0x1  }
0x97: {  	s18 =	sld [smem:$0x3FFB];
	_ =	sdelay $0x3  }
0x98: {  	_ =	strace s18  }
0x99: {  	s2 =	sld [smem:$0x3FFC];
	_ =	sdelay $0x3  }
0x9a: {  	_ =	strace s2  }
0x9b: {  	s2 =	sld [smem:$0x3FFD];
	_ =	sdelay $0x3  }
0x9c: {  	_ =	strace s2  }
0x9d: {  	_ =	strace $0x8FFFFFFF  }
0x9e: {  	s19 =	sld [smem:$0x3FDB];
	_ =	sdelay $0x1  }
0x9f: {  	s20 =	simm.s32 $_scs_section_size  }
0xa0: {  	s5 =	simm.s32 $_size__tile_overlayer_lowered;
	s6 =	simm.s32 $_tile_overlayer_lowered  }
0xa1: {  	s7 =	simm.s32 $0x1BFF;
	s21 =	sshll.u32 s6, $0x1;
	s4 =	sadd.s32 s20, s19  }
0xa2: {  	s22 =	simm.s32 $0x0;
	s5 =	sshll.u32 s5, $0x1;
	s6 =	sadd.s32 s21, s4  }
0xa3: {  	[timem:s22], [sflag:s7] =	dma.local [hbm:s6], s5  }
0xa4: {  	_ =	swait.ge [sflag:s7], s5  }
0xa5: {  	s5 =	ssub.s32 $0x0, s5;
	[sflag:s7] =	ssyncset.done $0x0  }
0xa6: {  	[sflag:s7] =	ssyncadd.s32 s5;
	_ =	sdelay $0x1  }
0xa7: {  	s23 =	simm.s32 $0x1B8B  }
0xa8: {  	_ =	swait.ge [sflag:s23], $0x1  }
0xa9: {  	[sflag:s23] =	ssyncset.done $0x0  }
0xaa: {  	[sflag:s23] =	ssyncadd.s32 $0xFFFFFFFF  }
0xab: {  	s5 =	sld [smem:$0x0]  }
0xac: {  	s6 =	sand.u32 $0xFFFFFFFE, s1  }
0xad: {  	p0 =	sne.s32 s1, s6  }
0xae: {  	s6 =	sshll.u32 @p0 s6, $0xE  }
0xaf: {  	s6 =	sadd.s32 @p0 $0x11B8D, s6;
	s7 =	sshll.u32 @p0 s5, $0x11  }
0xb0: {  	s6 =	sor.u32 @p0 s7, s6  }
0xb1: {  	[sflag:s6] =	ssyncadd.remote.s32 @p0 $0x1;
	_ =	sdelay $0x1  }
0xb2: {  	s6 =	simm.s32 @p0 $0x1B8D  }
0xb3: {  	_ =	swait.eq @p0 [sflag:s6], $0x1  }
0xb4: {  	[sflag:s6] =	ssyncadd.s32 @p0 $0xFFFFFFFF  }
0xb5: {  	s7 =	sshll.u32 @!p0 s1, $0xE  }
0xb6: {  	s7 =	sor.u32 @!p0 $0x4000, s7;
	s6 =	simm.s32 @!p0 $0x1B8D  }
0xb7: {  	s5 =	sshll.u32 @!p0 s5, $0x11;
	s7 =	sadd.s32 @!p0 $0x11B8D, s7;
	_ =	swait.eq @!p0 [sflag:s6], $0x1  }
0xb8: {  	s5 =	sor.u32 @!p0 s5, s7;
	[sflag:s6] =	ssyncadd.s32 @!p0 $0xFFFFFFFF  }
0xb9: {  	s25 =	simm.s32 $0x1B8E;
	s24 =	sld [smem:$0x3FFE];
	[sflag:s5] =	ssyncadd.remote.s32 @!p0 $0x1  }
0xba: {  	s26 =	simm.s32 $execute0_lowered;
	[smem:$0x3FD2] =	sst s25  }
0xbb: {  	s6 =	sshll.u32 s26, $0x1;
	_ =	strace $0x80000049;
	[dreg:$0x1] =	wrdreg $0xFFFFFFFF  }
0xbc: {  	s28 =	simm.s32 $_size_execute0_lowered;
	s4 =	sadd.s32 s4, s6;
	[dreg:$0x0] =	wrdreg $0x0  }
0xbd: {  	s6 =	sshll.u32 s28, $0x1;
	[dreg:$0x2] =	wrdreg s4  }
0xbe: {  	[dreg:$0x3] =	wrdreg s6  }
0xbf: {  	[dreg:$0x4] =	wrdreg $0xC0  }
0xc0: {  	_ =	task [dreg:s22], $0x5FFFF  }
0xc1: {  	[dreg:$0x1] =	wrdreg $0xFFFFFFFF  }
0xc2: {  	[dreg:$0x0] =	wrdreg $0x60  }
0xc3: {  	[dreg:$0x2] =	wrdreg s24  }
0xc4: {  	[dreg:$0x3] =	wrdreg s17  }
0xc5: {  	[dreg:$0x4] =	wrdreg $0xA  }
0xc6: {  	_ =	task.clear_ibuf [dreg:s22], $0x5FFFF;
	_ =	strace $0x90000049  }
0xc7: {  	s29 =	simm.s32 $0xA;
	_ =	strace $0x8000004B  }
0xc8: {  	_ =	swait.ge [sflag:s29], $0x1  }
0xc9: {  	[sflag:s29] =	ssyncadd.s32 $0xFFFFFFFF  }
0xca: {  	_ =	strace $0x9000004B  }
0xcb: {  	_ =	sfence  }
0xcc: {  	s30 =	sld [smem:$0x0];
	_ =	sdelay $0x2  }
0xcd: {  	s31 =	sshll.u32 s1, $0xD;
	s1 =	sshrl.u32 s1, $0x2  }
0xce: {  	s4 =	sand.u32 $0x4000, s31;
	s1 =	sadd.s32 s1, s30  }
0xcf: {  	s0 =	sor.u32 s4, s0;
	s1 =	sshll.u32 s1, $0x11  }
0xd0: {  	s0 =	sor.u32 s1, s0  }
0xd1: {  	s0 =	sadd.s32 $0x8F2B, s0  }
0xd2: {  	[sflag:s0] =	ssyncadd.remote.s32 $0x1  }
0xd3: {  	_ =	sfence.sel $0xFFFF  }
0xd4: {  	[dreg:$0x0] =	wrdreg $0xFFFFFFFF;
	(pc) =	sbr.abs _section_cstart, $3  }
0xd5: {  	[dreg:$0x1] =	wrdreg $0xFFFFFFFF  }
0xd6: {  	_ =	task.clear_ibuf [dreg:s22], $0x2FFFF;
	_ =	strace $0x9FFFFFFF  }
0xd7: {  	(tm) =	ssettm $0x7FFFFFFF  }
tec
execute0_lowered:
.L_overlay_start_1:
0x0: {  	(tag) =	ssettag $0x1  }
0x1: {  	s3 =	rddreg [dreg:$0x0]  }
0x2: {  	s5 =	rddreg [dreg:$0x1]  }
0x3: {  	s0 =	rddreg [dreg:$0x2]  }
0x4: {  	s1 =	stileid.u32;
	s2 =	simm.s32 $0x0;
	s4 =	srdreg.scid  }
0x5: {  	s6 =	sshll.u32 s1, $0x1;
	[smem:$0x7FF] =	sst s2;
	s4 =	sand.u32 $0x1, s4  }
0x6: {  	s7 =	sshrl.u32 s1, $0x1;
	s6 =	sand.u32 $0x2, s6;
	_ =	strace $0x8000004A  }
0x7: {  	s9 =	sshll.u32 s7, $0x7;
	s7 =	sshll.u32 s7, $0xD;
	s6 =	sor.u32 s4, s6  }
0x8: {  	s4 =	ssub.s32 $0x2, s4;
	s5 =	sadd.s32 s5, s7;
	s6 =	sshll.u32 s6, $0xB  }
0x9: {  	s7 =	simm.s32 $0x4000;
	s10 =	sshrl.u32 s4, $0x1;
	s8 =	sadd.s32 s6, s3  }
0xa: {  	s3 =	sadd.s32 s9, s3;
	s31 =	ssub.s32 s4, s10;
	s5 =	sadd.s32 s6, s5  }
0xb: {  	s9 =	simm.s32 $0x4400;
	s10 =	simm.s32 $0x0;
	s3 =	sadd.s32 $0x12C00, s3  }
0xc: {  	s4 =	sadd.s32 $0xC00, s8;
	s6 =	smax.u32 s31, $0x1;
	s8 =	simm.s32 $0x1  }
.LBB2_1:
0xd: {  	[tilespmem:s7], [sflag:$0x1] =	stream.linear.gather [hbm4b:s3+s2], $0x400, $0x38;
	[tilespmem:$0x8400] =	vst v63  }
0xe: {  	_ =	swait.ge [sflag:s8], $0x400  }
0xf: {  	[sflag:s8] =	ssyncset.done $0x0  }
0x10: {  	[sflag:s8] =	ssyncadd.s32 $0xFFFFFC00  }
0x11: {  	[tilespmem:s2], [sflag:$0x1] =	stream.linear.gather [hbm4b:s4+s2], $0x4000, $0x38;
	[tilespmem:$0x8400] =	vst v63  }
0x12: {  	_ =	swait.ge [sflag:s8], $0x4000  }
0x13: {  	[sflag:s8] =	ssyncset.done $0x0  }
0x14: {  	s11 =	simm.s32 $0x4040;
	[sflag:s8] =	ssyncadd.s32 $0xFFFFC000  }
0x15: {  	v7 =	vld [tilespmem:s11+$0x30]  }
0x16: {  	v5 =	vld [tilespmem:s11+$0xFFFFFFD0]  }
0x17: {  	v4 =	vld [tilespmem:s11+$0xFFFFFFE0]  }
0x18: {  	v3 =	vld [tilespmem:s11+$0xFFFFFFF0]  }
0x19: {  	v2 =	vld [tilespmem:s11+$0x0]  }
0x1a: {  	v1 =	vld [tilespmem:s11+$0x10]  }
0x1b: {  	v0 =	vld [tilespmem:s11+$0x20]  }
0x1c: {  	v6 =	vld [tilespmem:s11+$0xFFFFFFC0]  }
0x1d: {  	v8 =	vld.idx.msk [tilespmem:v7+s2+$0x0], $0xffff  }
0x1e: {  	v9 =	vld.idx.msk [tilespmem:v5+s2+$0x0], $0xffff  }
0x1f: {  	v10 =	vld.idx.msk [tilespmem:v4+s2+$0x0], $0xffff  }
0x20: {  	v11 =	vadd.s32 $0x400, v7;
	v12 =	vld.idx.msk [tilespmem:v3+s2+$0x0], $0xffff  }
0x21: {  	s11 =	simm.s32 $0x6400;
	v13 =	vadd.s32 $0x400, v5;
	v14 =	vld.idx.msk [tilespmem:v2+s2+$0x0], $0xffff  }
0x22: {  	v15 =	vadd.s32 $0x400, v4;
	v16 =	vld.idx.msk [tilespmem:v1+s2+$0x0], $0xffff;
	[tilespmem:s11+$0xFFFFE070] =	vst v8  }
0x23: {  	v17 =	vadd.s32 $0x400, v3;
	v18 =	vld.idx.msk [tilespmem:v0+s2+$0x0], $0xffff;
	[tilespmem:s11+$0xFFFFE010] =	vst v9  }
0x24: {  	v38 =	vadd.s32 $0x400, v0;
	[tilespmem:s11+$0xFFFFE020] =	vst v10;
	v10 =	vld.idx.msk [tilespmem:v6+s2+$0x0], $0xffff  }
0x25: {  	v8 =	vadd.s32 $0x400, v2;
	[tilespmem:s11+$0xFFFFE030] =	vst v12;
	v9 =	vld.idx.msk [tilespmem:v11+s2+$0x0], $0xffff  }
0x26: {  	[tilespmem:s11+$0xFFFFE040] =	vst v14;
	v11 =	vadd.s32 $0x400, v1;
	v13 =	vld.idx.msk [tilespmem:v13+s2+$0x0], $0xffff  }
0x27: {  	v37 =	vadd.s32 $0x400, v6;
	[tilespmem:s11+$0xFFFFE050] =	vst v16;
	v15 =	vld.idx.msk [tilespmem:v15+s2+$0x0], $0xffff  }
0x28: {  	v36 =	vadd.s32 $0x800, v7;
	[tilespmem:s11+$0xFFFFE060] =	vst v18;
	v17 =	vld.idx.msk [tilespmem:v17+s2+$0x0], $0xffff  }
0x29: {  	v39 =	vadd.s32 $0x800, v5;
	v41 =	vld.idx.msk [tilespmem:v38+s2+$0x0], $0xffff;
	[tilespmem:s11+$0xFFFFE000] =	vst v10  }
0x2a: {  	v8 =	vld.idx.msk [tilespmem:v8+s2+$0x0], $0xffff;
	v10 =	vadd.s32 $0x800, v3;
	[tilespmem:s11+$0xFFFFE470] =	vst v9  }
0x2b: {  	v9 =	vadd.s32 $0x800, v4;
	v11 =	vld.idx.msk [tilespmem:v11+s2+$0x0], $0xffff;
	[tilespmem:s11+$0xFFFFE410] =	vst v13  }
0x2c: {  	v40 =	vadd.s32 $0x800, v2;
	v14 =	vld.idx.msk [tilespmem:v37+s2+$0x0], $0xffff;
	[tilespmem:s11+$0xFFFFE420] =	vst v15  }
0x2d: {  	v43 =	vadd.s32 $0x800, v6;
	[tilespmem:s11+$0xFFFFE430] =	vst v17;
	v12 =	vld.idx.msk [tilespmem:v36+s2+$0x0], $0xffff  }
0x2e: {  	v42 =	vadd.s32 $0xC00, v7;
	[tilespmem:s11+$0xFFFFE460] =	vst v41;
	v18 =	vld.idx.msk [tilespmem:v39+s2+$0x0], $0xffff  }
0x2f: {  	v44 =	vadd.s32 $0xC00, v5;
	[tilespmem:s11+$0xFFFFE440] =	vst v8;
	v10 =	vld.idx.msk [tilespmem:v10+s2+$0x0], $0xffff  }
0x30: {  	v8 =	vadd.s32 $0x800, v1;
	v9 =	vld.idx.msk [tilespmem:v9+s2+$0x0], $0xffff;
	[tilespmem:s11+$0xFFFFE450] =	vst v11  }
0x31: {  	v11 =	vadd.s32 $0x800, v0;
	v13 =	vld.idx.msk [tilespmem:v40+s2+$0x0], $0xffff;
	[tilespmem:s11+$0xFFFFE400] =	vst v14  }
0x32: {  	v46 =	vadd.s32 $0xC00, v3;
	[tilespmem:s11+$0xFFFFE870] =	vst v12;
	v17 =	vld.idx.msk [tilespmem:v43+s2+$0x0], $0xffff  }
0x33: {  	v45 =	vadd.s32 $0xC00, v4;
	[tilespmem:s11+$0xFFFFE810] =	vst v18;
	v16 =	vld.idx.msk [tilespmem:v42+s2+$0x0], $0xffff  }
0x34: {  	v47 =	vadd.s32 $0x1000, v7;
	v12 =	vld.idx.msk [tilespmem:v44+s2+$0x0], $0xffff;
	[tilespmem:s11+$0xFFFFE830] =	vst v10  }
0x35: {  	v50 =	vadd.s32 $0x1000, v5;
	v8 =	vld.idx.msk [tilespmem:v8+s2+$0x0], $0xffff;
	[tilespmem:s11+$0xFFFFE820] =	vst v9  }
0x36: {  	v10 =	vadd.s32 $0xC00, v2;
	v11 =	vld.idx.msk [tilespmem:v11+s2+$0x0], $0xffff;
	[tilespmem:s11+$0xFFFFE840] =	vst v13  }
0x37: {  	v9 =	vadd.s32 $0xC00, v6;
	v15 =	vld.idx.msk [tilespmem:v46+s2+$0x0], $0xffff;
	[tilespmem:s11+$0xFFFFE800] =	vst v17  }
0x38: {  	v48 =	vadd.s32 $0xC00, v1;
	v14 =	vld.idx.msk [tilespmem:v45+s2+$0x0], $0xffff;
	[tilespmem:s11+$0xFFFFEC70] =	vst v16  }
0x39: {  	v49 =	vadd.s32 $0xC00, v0;
	[tilespmem:s11+$0xFFFFEC10] =	vst v12;
	v18 =	vld.idx.msk [tilespmem:v47+s2+$0x0], $0xffff  }
0x3a: {  	v52 =	vadd.s32 $0x1000, v3;
	v17 =	vld.idx.msk [tilespmem:v50+s2+$0x0], $0xffff;
	[tilespmem:s11+$0xFFFFE850] =	vst v8  }
0x3b: {  	v8 =	vadd.s32 $0x1000, v4;
	v10 =	vld.idx.msk [tilespmem:v10+s2+$0x0], $0xffff;
	[tilespmem:s11+$0xFFFFE860] =	vst v11  }
0x3c: {  	v9 =	vld.idx.msk [tilespmem:v9+s2+$0x0], $0xffff;
	v11 =	vadd.s32 $0x1400, v7;
	[tilespmem:s11+$0xFFFFEC30] =	vst v15  }
0x3d: {  	v53 =	vadd.s32 $0x1000, v2;
	v13 =	vld.idx.msk [tilespmem:v48+s2+$0x0], $0xffff;
	[tilespmem:s11+$0xFFFFEC20] =	vst v14  }
0x3e: {  	v51 =	vadd.s32 $0x1000, v6;
	v16 =	vld.idx.msk [tilespmem:v49+s2+$0x0], $0xffff;
	[tilespmem:s11+$0xFFFFF070] =	vst v18  }
0x3f: {  	v54 =	vadd.s32 $0x1000, v1;
	v14 =	vld.idx.msk [tilespmem:v52+s2+$0x0], $0xffff;
	[tilespmem:s11+$0xFFFFF010] =	vst v17  }
0x40: {  	v8 =	vld.idx.msk [tilespmem:v8+s2+$0x0], $0xffff;
	[tilespmem:s11+$0xFFFFEC40] =	vst v10;
	v10 =	vadd.s32 $0x1400, v5  }
0x41: {  	[tilespmem:s11+$0xFFFFEC00] =	vst v9;
	v9 =	vadd.s32 $0x1000, v0;
	v11 =	vld.idx.msk [tilespmem:v11+s2+$0x0], $0xffff  }
0x42: {  	v57 =	vadd.s32 $0x1400, v4;
	[tilespmem:s11+$0xFFFFEC50] =	vst v13;
	v15 =	vld.idx.msk [tilespmem:v53+s2+$0x0], $0xffff  }
0x43: {  	v55 =	vadd.s32 $0x1800, v7;
	v12 =	vld.idx.msk [tilespmem:v51+s2+$0x0], $0xffff;
	[tilespmem:s11+$0xFFFFEC60] =	vst v16  }
0x44: {  	v56 =	vadd.s32 $0x1400, v6;
	v18 =	vld.idx.msk [tilespmem:v54+s2+$0x0], $0xffff;
	[tilespmem:s11+$0xFFFFF030] =	vst v14  }
0x45: {  	v58 =	vadd.s32 $0x1400, v1;
	[tilespmem:s11+$0xFFFFF020] =	vst v8;
	v10 =	vld.idx.msk [tilespmem:v10+s2+$0x0], $0xffff  }
0x46: {  	v8 =	vadd.s32 $0x1400, v3;
	v9 =	vld.idx.msk [tilespmem:v9+s2+$0x0], $0xffff;
	[tilespmem:s11+$0xFFFFF470] =	vst v11  }
0x47: {  	v11 =	vadd.s32 $0x1400, v2;
	v17 =	vld.idx.msk [tilespmem:v57+s2+$0x0], $0xffff;
	[tilespmem:s11+$0xFFFFF040] =	vst v15  }
0x48: {  	v59 =	vadd.s32 $0x1400, v0;
	[tilespmem:s11+$0xFFFFF000] =	vst v12;
	v13 =	vld.idx.msk [tilespmem:v55+s2+$0x0], $0xffff  }
0x49: {  	v60 =	vadd.s32 $0x1C00, v7;
	[tilespmem:s11+$0xFFFFF050] =	vst v18;
	v16 =	vld.idx.msk [tilespmem:v56+s2+$0x0], $0xffff  }
0x4a: {  	v61 =	vadd.s32 $0x1800, v6;
	v12 =	vld.idx.msk [tilespmem:v58+s2+$0x0], $0xffff;
	[tilespmem:s11+$0xFFFFF410] =	vst v10  }
0x4b: {  	v21 =	vadd.s32 $0x1800, v1;
	v8 =	vld.idx.msk [tilespmem:v8+s2+$0x0], $0xffff;
	[tilespmem:s11+$0xFFFFF060] =	vst v9  }
0x4c: {  	v10 =	vadd.s32 $0x1800, v4;
	v11 =	vld.idx.msk [tilespmem:v11+s2+$0x0], $0xffff;
	[tilespmem:s11+$0xFFFFF420] =	vst v17  }
0x4d: {  	v9 =	vadd.s32 $0x1800, v5;
	[tilespmem:s11+$0xFFFFF870] =	vst v13;
	v14 =	vld.idx.msk [tilespmem:v59+s2+$0x0], $0xffff  }
0x4e: {  	v62 =	vadd.s32 $0x1800, v3;
	[tilespmem:s11+$0xFFFFF400] =	vst v16;
	v15 =	vld.idx.msk [tilespmem:v60+s2+$0x0], $0xffff  }
0x4f: {  	v63 =	vadd.s32 $0x1800, v2;
	[tilespmem:s11+$0xFFFFF450] =	vst v12;
	v18 =	vld.idx.msk [tilespmem:v61+s2+$0x0], $0xffff  }
0x50: {  	v17 =	vld.idx.msk [tilespmem:v21+s2+$0x0], $0xffff;
	[tilespmem:s11+$0xFFFFF430] =	vst v8;
	v8 =	vadd.s32 $0x2000, v7  }
0x51: {  	v22 =	vadd.s32 $0x1C00, v6;
	v10 =	vld.idx.msk [tilespmem:v10+s2+$0x0], $0xffff;
	[tilespmem:s11+$0xFFFFF440] =	vst v11  }
0x52: {  	v9 =	vld.idx.msk [tilespmem:v9+s2+$0x0], $0xffff;
	v11 =	vadd.s32 $0x1800, v0;
	[tilespmem:s11+$0xFFFFF460] =	vst v14  }
0x53: {  	v24 =	vadd.s32 $0x1C00, v4;
	v13 =	vld.idx.msk [tilespmem:v62+s2+$0x0], $0xffff;
	[tilespmem:s11+$0xFFFFFC70] =	vst v15  }
0x54: {  	v26 =	vadd.s32 $0x1C00, v1;
	v16 =	vld.idx.msk [tilespmem:v63+s2+$0x0], $0xffff;
	[tilespmem:s11+$0xFFFFF800] =	vst v18  }
0x55: {  	v23 =	vadd.s32 $0x1C00, v5;
	[tilespmem:s11+$0xFFFFF850] =	vst v17;
	v8 =	vld.idx.msk [tilespmem:v8+s2+$0x0], $0xffff  }
0x56: {  	v25 =	vadd.s32 $0x1C00, v3;
	v12 =	vld.idx.msk [tilespmem:v22+s2+$0x0], $0xffff;
	[tilespmem:s11+$0xFFFFF820] =	vst v10  }
0x57: {  	[tilespmem:s11+$0xFFFFF810] =	vst v9;
	v9 =	vadd.s32 $0x1C00, v2;
	v11 =	vld.idx.msk [tilespmem:v11+s2+$0x0], $0xffff  }
0x58: {  	v10 =	vadd.s32 $0x2400, v7;
	[tilespmem:s11+$0xFFFFF830] =	vst v13;
	v15 =	vld.idx.msk [tilespmem:v24+s2+$0x0], $0xffff  }
0x59: {  	v28 =	vadd.s32 $0x2000, v6;
	v13 =	vld.idx.msk [tilespmem:v26+s2+$0x0], $0xffff;
	[tilespmem:s11+$0xFFFFF840] =	vst v16  }
0x5a: {  	v27 =	vadd.s32 $0x1C00, v0;
	v14 =	vld.idx.msk [tilespmem:v23+s2+$0x0], $0xffff;
	[tilespmem:s11+$0x70] =	vst v8  }
0x5b: {  	v33 =	vadd.s32 $0x2000, v1;
	v18 =	vld.idx.msk [tilespmem:v25+s2+$0x0], $0xffff;
	[tilespmem:s11+$0xFFFFFC00] =	vst v12  }
0x5c: {  	v29 =	vadd.s32 $0x2000, v3;
	v9 =	vld.idx.msk [tilespmem:v9+s2+$0x0], $0xffff;
	[tilespmem:s11+$0xFFFFF860] =	vst v11  }
0x5d: {  	v8 =	vadd.s32 $0x2000, v5;
	v10 =	vld.idx.msk [tilespmem:v10+s2+$0x0], $0xffff;
	[tilespmem:s11+$0xFFFFFC20] =	vst v15  }
0x5e: {  	v11 =	vadd.s32 $0x2000, v4;
	v17 =	vld.idx.msk [tilespmem:v28+s2+$0x0], $0xffff;
	[tilespmem:s11+$0xFFFFFC50] =	vst v13  }
0x5f: {  	v31 =	vadd.s32 $0x2800, v7;
	[tilespmem:s11+$0xFFFFFC10] =	vst v14;
	v30 =	vld.idx.msk [tilespmem:v27+s2+$0x0], $0xffff  }
0x60: {  	v32 =	vadd.s32 $0x2000, v2;
	[tilespmem:s11+$0xFFFFFC30] =	vst v18;
	v36 =	vld.idx.msk [tilespmem:v33+s2+$0x0], $0xffff  }
0x61: {  	v38 =	vadd.s32 $0x2400, v1;
	v12 =	vld.idx.msk [tilespmem:v29+s2+$0x0], $0xffff;
	[tilespmem:s11+$0xFFFFFC40] =	vst v9  }
0x62: {  	v8 =	vld.idx.msk [tilespmem:v8+s2+$0x0], $0xffff;
	v9 =	vadd.s32 $0x2000, v0;
	[tilespmem:s11+$0x470] =	vst v10  }
0x63: {  	v11 =	vld.idx.msk [tilespmem:v11+s2+$0x0], $0xffff;
	v10 =	vadd.s32 $0x2400, v6;
	[tilespmem:s11+$0x0] =	vst v17  }
0x64: {  	v34 =	vadd.s32 $0x2400, v5;
	v16 =	vld.idx.msk [tilespmem:v31+s2+$0x0], $0xffff;
	[tilespmem:s11+$0xFFFFFC60] =	vst v30  }
0x65: {  	v35 =	vadd.s32 $0x2400, v4;
	v15 =	vld.idx.msk [tilespmem:v32+s2+$0x0], $0xffff;
	[tilespmem:s11+$0x50] =	vst v36  }
0x66: {  	v37 =	vadd.s32 $0x2C00, v7;
	[tilespmem:s11+$0x30] =	vst v12;
	v12 =	vld.idx.msk [tilespmem:v38+s2+$0x0], $0xffff  }
0x67: {  	[tilespmem:s11+$0x10] =	vst v8;
	v8 =	vadd.s32 $0x2400, v3;
	v9 =	vld.idx.msk [tilespmem:v9+s2+$0x0], $0xffff  }
0x68: {  	[tilespmem:s11+$0x20] =	vst v11;
	v11 =	vadd.s32 $0x2400, v2;
	v10 =	vld.idx.msk [tilespmem:v10+s2+$0x0], $0xffff  }
0x69: {  	v39 =	vadd.s32 $0x2400, v0;
	v13 =	vld.idx.msk [tilespmem:v34+s2+$0x0], $0xffff;
	[tilespmem:s11+$0x870] =	vst v16  }
0x6a: {  	v40 =	vadd.s32 $0x2800, v6;
	v14 =	vld.idx.msk [tilespmem:v35+s2+$0x0], $0xffff;
	[tilespmem:s11+$0x40] =	vst v15  }
0x6b: {  	v41 =	vadd.s32 $0x2800, v5;
	v18 =	vld.idx.msk [tilespmem:v37+s2+$0x0], $0xffff;
	[tilespmem:s11+$0x450] =	vst v12  }
0x6c: {  	v44 =	vadd.s32 $0x2800, v1;
	v8 =	vld.idx.msk [tilespmem:v8+s2+$0x0], $0xffff;
	[tilespmem:s11+$0x60] =	vst v9  }
0x6d: {  	v11 =	vld.idx.msk [tilespmem:v11+s2+$0x0], $0xffff;
	v9 =	vadd.s32 $0x3000, v7;
	[tilespmem:s11+$0x400] =	vst v10  }
0x6e: {  	v10 =	vadd.s32 $0x2800, v4;
	[tilespmem:s11+$0x410] =	vst v13;
	v16 =	vld.idx.msk [tilespmem:v39+s2+$0x0], $0xffff  }
0x6f: {  	v42 =	vadd.s32 $0x2800, v3;
	[tilespmem:s11+$0x420] =	vst v14;
	v15 =	vld.idx.msk [tilespmem:v40+s2+$0x0], $0xffff  }
0x70: {  	v43 =	vadd.s32 $0x2800, v2;
	v17 =	vld.idx.msk [tilespmem:v41+s2+$0x0], $0xffff;
	[tilespmem:s11+$0xC70] =	vst v18  }
0x71: {  	v46 =	vadd.s32 $0x2C00, v5;
	v18 =	vld.idx.msk [tilespmem:v44+s2+$0x0], $0xffff;
	[tilespmem:s11+$0x430] =	vst v8  }
0x72: {  	v8 =	vadd.s32 $0x2800, v0;
	v9 =	vld.idx.msk [tilespmem:v9+s2+$0x0], $0xffff;
	[tilespmem:s11+$0x440] =	vst v11  }
0x73: {  	v11 =	vadd.s32 $0x2C00, v6;
	v10 =	vld.idx.msk [tilespmem:v10+s2+$0x0], $0xffff;
	[tilespmem:s11+$0x460] =	vst v16  }
0x74: {  	v45 =	vadd.s32 $0x3400, v7;
	v13 =	vld.idx.msk [tilespmem:v42+s2+$0x0], $0xffff;
	[tilespmem:s11+$0x800] =	vst v15  }
0x75: {  	v47 =	vadd.s32 $0x2C00, v4;
	v14 =	vld.idx.msk [tilespmem:v43+s2+$0x0], $0xffff;
	[tilespmem:s11+$0x810] =	vst v17  }
0x76: {  	v48 =	vadd.s32 $0x2C00, v3;
	v16 =	vld.idx.msk [tilespmem:v46+s2+$0x0], $0xffff;
	[tilespmem:s11+$0x850] =	vst v18  }
0x77: {  	v8 =	vld.idx.msk [tilespmem:v8+s2+$0x0], $0xffff;
	[tilespmem:s11+$0x1070] =	vst v9;
	v9 =	vadd.s32 $0x2C00, v2  }
0x78: {  	v11 =	vld.idx.msk [tilespmem:v11+s2+$0x0], $0xffff;
	[tilespmem:s11+$0x820] =	vst v10;
	v10 =	vadd.s32 $0x2C00, v1  }
0x79: {  	v49 =	vadd.s32 $0x2C00, v0;
	[tilespmem:s11+$0x830] =	vst v13;
	v12 =	vld.idx.msk [tilespmem:v45+s2+$0x0], $0xffff  }
0x7a: {  	v51 =	vadd.s32 $0x3000, v6;
	v15 =	vld.idx.msk [tilespmem:v47+s2+$0x0], $0xffff;
	[tilespmem:s11+$0x840] =	vst v14  }
0x7b: {  	v50 =	vadd.s32 $0x3800, v7;
	v17 =	vld.idx.msk [tilespmem:v48+s2+$0x0], $0xffff;
	[tilespmem:s11+$0xC10] =	vst v16  }
0x7c: {  	v52 =	vadd.s32 $0x3000, v3;
	[tilespmem:s11+$0x860] =	vst v8;
	v9 =	vld.idx.msk [tilespmem:v9+s2+$0x0], $0xffff  }
0x7d: {  	v8 =	vadd.s32 $0x3000, v5;
	[tilespmem:s11+$0xC00] =	vst v11;
	v10 =	vld.idx.msk [tilespmem:v10+s2+$0x0], $0xffff  }
0x7e: {  	v11 =	vadd.s32 $0x3000, v4;
	v13 =	vld.idx.msk [tilespmem:v49+s2+$0x0], $0xffff;
	[tilespmem:s11+$0x1470] =	vst v12  }
0x7f: {  	v53 =	vadd.s32 $0x3000, v2;
	[tilespmem:s11+$0xC20] =	vst v15;
	v18 =	vld.idx.msk [tilespmem:v51+s2+$0x0], $0xffff  }
0x80: {  	v54 =	vadd.s32 $0x3000, v1;
	[tilespmem:s11+$0xC30] =	vst v17;
	v14 =	vld.idx.msk [tilespmem:v50+s2+$0x0], $0xffff  }
0x81: {  	v7 =	vadd.s32 $0x3C00, v7;
	v12 =	vld.idx.msk [tilespmem:v52+s2+$0x0], $0xffff;
	[tilespmem:s11+$0xC40] =	vst v9  }
0x82: {  	v57 =	vadd.s32 $0x3400, v3;
	v8 =	vld.idx.msk [tilespmem:v8+s2+$0x0], $0xffff;
	[tilespmem:s11+$0xC50] =	vst v10  }
0x83: {  	v9 =	vadd.s32 $0x3000, v0;
	v11 =	vld.idx.msk [tilespmem:v11+s2+$0x0], $0xffff;
	[tilespmem:s11+$0xC60] =	vst v13  }
0x84: {  	v10 =	vadd.s32 $0x3400, v6;
	v16 =	vld.idx.msk [tilespmem:v53+s2+$0x0], $0xffff;
	[tilespmem:s11+$0x1000] =	vst v18  }
0x85: {  	v55 =	vadd.s32 $0x3400, v5;
	v15 =	vld.idx.msk [tilespmem:v54+s2+$0x0], $0xffff;
	[tilespmem:s11+$0x1870] =	vst v14  }
0x86: {  	v56 =	vadd.s32 $0x3400, v4;
	[tilespmem:s11+$0x1030] =	vst v12;
	v7 =	vld.idx.msk [tilespmem:v7+s2+$0x0], $0xffff  }
0x87: {  	v17 =	vld.idx.msk [tilespmem:v57+s2+$0x0], $0xffff;
	[tilespmem:s11+$0x1010] =	vst v8;
	v8 =	vadd.s32 $0x3400, v2  }
0x88: {  	v9 =	vld.idx.msk [tilespmem:v9+s2+$0x0], $0xffff;
	[tilespmem:s11+$0x1020] =	vst v11;
	v11 =	vadd.s32 $0x3400, v1  }
0x89: {  	v58 =	vadd.s32 $0x3400, v0;
	v10 =	vld.idx.msk [tilespmem:v10+s2+$0x0], $0xffff  }
0x8a: {  	v59 =	vadd.s32 $0x3800, v6;
	v13 =	vld.idx.msk [tilespmem:v55+s2+$0x0], $0xffff;
	[tilespmem:s11+$0x1040] =	vst v16  }
0x8b: {  	v60 =	vadd.s32 $0x3800, v5;
	v14 =	vld.idx.msk [tilespmem:v56+s2+$0x0], $0xffff;
	[tilespmem:s11+$0x1050] =	vst v15  }
0x8c: {  	[tilespmem:s11+$0x1C70] =	vst v7;
	v7 =	vadd.s32 $0x3800, v4;
	v8 =	vld.idx.msk [tilespmem:v8+s2+$0x0], $0xffff  }
0x8d: {  	[tilespmem:s11+$0x1060] =	vst v9;
	v9 =	vadd.s32 $0x3800, v3;
	v11 =	vld.idx.msk [tilespmem:v11+s2+$0x0], $0xffff  }
0x8e: {  	[tilespmem:s11+$0x1400] =	vst v10;
	v10 =	vadd.s32 $0x3800, v2;
	v12 =	vld.idx.msk [tilespmem:v58+s2+$0x0], $0xffff  }
0x8f: {  	v61 =	vadd.s32 $0x3800, v1;
	[tilespmem:s11+$0x1410] =	vst v13;
	v16 =	vld.idx.msk [tilespmem:v59+s2+$0x0], $0xffff  }
0x90: {  	v62 =	vadd.s32 $0x3800, v0;
	[tilespmem:s11+$0x1420] =	vst v14;
	v15 =	vld.idx.msk [tilespmem:v60+s2+$0x0], $0xffff  }
0x91: {  	v6 =	vadd.s32 $0x3C00, v6;
	[tilespmem:s11+$0x1430] =	vst v17;
	v7 =	vld.idx.msk [tilespmem:v7+s2+$0x0], $0xffff  }
0x92: {  	v5 =	vadd.s32 $0x3C00, v5;
	[tilespmem:s11+$0x1440] =	vst v8;
	v8 =	vld.idx.msk [tilespmem:v9+s2+$0x0], $0xffff  }
0x93: {  	v4 =	vadd.s32 $0x3C00, v4;
	[tilespmem:s11+$0x1450] =	vst v11;
	v9 =	vld.idx.msk [tilespmem:v10+s2+$0x0], $0xffff  }
0x94: {  	v3 =	vadd.s32 $0x3C00, v3;
	[tilespmem:s11+$0x1460] =	vst v12;
	v10 =	vld.idx.msk [tilespmem:v61+s2+$0x0], $0xffff  }
0x95: {  	v11 =	vadd.s32 $0x3C00, v2;
	[tilespmem:s11+$0x1800] =	vst v16;
	v12 =	vld.idx.msk [tilespmem:v62+s2+$0x0], $0xffff  }
0x96: {  	v1 =	vadd.s32 $0x3C00, v1;
	[tilespmem:s11+$0x1810] =	vst v15;
	v6 =	vld.idx.msk [tilespmem:v6+s2+$0x0], $0xffff  }
0x97: {  	v63 =	vadd.s32 $0x3C00, v0;
	v2 =	vld.idx.msk [tilespmem:v5+s2+$0x0], $0xffff;
	[tilespmem:s11+$0x1820] =	vst v7  }
0x98: {  	v0 =	vld.idx.msk [tilespmem:v4+s2+$0x0], $0xffff;
	[tilespmem:s11+$0x1830] =	vst v8  }
0x99: {  	[tilespmem:s11+$0x1840] =	vst v9;
	v3 =	vld.idx.msk [tilespmem:v3+s2+$0x0], $0xffff  }
0x9a: {  	[tilespmem:s11+$0x1850] =	vst v10;
	v7 =	vld.idx.msk [tilespmem:v11+s2+$0x0], $0xffff  }
0x9b: {  	[tilespmem:s11+$0x1860] =	vst v12;
	v8 =	vld.idx.msk [tilespmem:v1+s2+$0x0], $0xffff  }
0x9c: {  	s12 =	simm.s32 $0x0;
	s13 =	simm.s32 $0x40C0;
	[tilespmem:s11+$0x1C00] =	vst v6;
	v1 =	vld.idx.msk [tilespmem:v63+s2+$0x0], $0xffff  }
.LBB2_2:
0x9d: {  	_ = 	snop  }
0x9e: {  	v6 =	vld [tilespmem:s13+$0x30];
	[tilespmem:s11+$0x1C10] =	vst v2  }
0x9f: {  	[tilespmem:s11+$0x1C20] =	vst v0;
	v0 =	vld [tilespmem:s13+$0xFFFFFFC0]  }
0xa0: {  	v2 =	vld [tilespmem:s13+$0xFFFFFFD0]  }
0xa1: {  	[tilespmem:s11+$0x1C30] =	vst v3;
	v5 =	vld [tilespmem:s13+$0xFFFFFFE0]  }
0xa2: {  	[tilespmem:s11+$0x1C40] =	vst v7;
	v3 =	vld [tilespmem:s13+$0xFFFFFFF0]  }
0xa3: {  	[tilespmem:s11+$0x1C50] =	vst v8;
	v4 =	vld [tilespmem:s13+$0x0]  }
0xa4: {  	[tilespmem:s11+$0x1C60] =	vst v1;
	v59 =	vld [tilespmem:s13+$0x10]  }
0xa5: {  	v1 =	vld [tilespmem:s13+$0x20];
	_ =	sdelay $0x1  }
0xa6: {  	v17 =	vld.idx.msk [tilespmem:v6+s2+$0x0], $0xffff  }
0xa7: {  	v47 =	vld.idx.msk [tilespmem:v0+s2+$0x0], $0xffff  }
0xa8: {  	v8 =	vadd.s32 $0x2400, v0;
	v18 =	vld.idx.msk [tilespmem:v2+s2+$0x0], $0xffff  }
0xa9: {  	v25 =	vadd.s32 $0x400, v6;
	v7 =	vadd.s32 $0x1C00, v1;
	[tilespmem:$0x1FE00] =	vst v8;
	v23 =	vld.idx.msk [tilespmem:v5+s2+$0x0], $0xffff  }
0xaa: {  	s11 =	sadd.s32 $0x80, s11;
	v53 =	vadd.s32 $0x400, v0;
	[tilespmem:$0x1FDF0] =	vst v7;
	v27 =	vld.idx.msk [tilespmem:v3+s2+$0x0], $0xffff  }
0xab: {  	v22 =	vadd.s32 $0x400, v2;
	v41 =	vld.idx.msk [tilespmem:v4+s2+$0x0], $0xffff;
	[tilespmem:s11+$0xFFFFE070] =	vst v17  }
0xac: {  	v29 =	vadd.s32 $0x400, v5;
	v43 =	vld.idx.msk [tilespmem:v59+s2+$0x0], $0xffff;
	[tilespmem:s11+$0xFFFFE000] =	vst v47  }
0xad: {  	v31 =	vadd.s32 $0x400, v3;
	v45 =	vld.idx.msk [tilespmem:v1+s2+$0x0], $0xffff;
	[tilespmem:s11+$0xFFFFE010] =	vst v18  }
0xae: {  	v32 =	vadd.s32 $0x400, v4;
	v46 =	vld.idx.msk [tilespmem:v25+s2+$0x0], $0xffff;
	[tilespmem:s11+$0xFFFFE020] =	vst v23  }
0xaf: {  	v40 =	vadd.s32 $0x400, v59;
	[tilespmem:s11+$0xFFFFE030] =	vst v27;
	v11 =	vld.idx.msk [tilespmem:v53+s2+$0x0], $0xffff  }
0xb0: {  	[tilespmem:s11+$0xFFFFE040] =	vst v41;
	v48 =	vld.idx.msk [tilespmem:v22+s2+$0x0], $0xffff  }
0xb1: {  	v42 =	vadd.s32 $0x400, v1;
	[tilespmem:s11+$0xFFFFE050] =	vst v43;
	v50 =	vld.idx.msk [tilespmem:v29+s2+$0x0], $0xffff  }
0xb2: {  	v49 =	vadd.s32 $0x800, v6;
	[tilespmem:s11+$0xFFFFE060] =	vst v45;
	v51 =	vld.idx.msk [tilespmem:v31+s2+$0x0], $0xffff  }
0xb3: {  	v12 =	vld.idx.msk [tilespmem:v32+s2+$0x0], $0xffff;
	[tilespmem:s11+$0xFFFFE470] =	vst v46  }
0xb4: {  	v44 =	vld.idx.msk [tilespmem:v40+s2+$0x0], $0xffff;
	[tilespmem:s11+$0xFFFFE400] =	vst v11  }
0xb5: {  	[tilespmem:s11+$0xFFFFE410] =	vst v48  }
0xb6: {  	v9 =	vld.idx.msk [tilespmem:v42+s2+$0x0], $0xffff;
	[tilespmem:s11+$0xFFFFE420] =	vst v50  }
0xb7: {  	v10 =	vld.idx.msk [tilespmem:v49+s2+$0x0], $0xffff;
	[tilespmem:s11+$0xFFFFE430] =	vst v51  }
0xb8: {  	[tilespmem:s11+$0xFFFFE440] =	vst v12  }
0xb9: {  	v36 =	vadd.s32 $0x800, v2;
	v11 =	vadd.s32 $0x2800, v4;
	[tilespmem:s11+$0xFFFFE450] =	vst v44  }
0xba: {  	[tilespmem:$0x1FE80] =	vst v11  }
0xbb: {  	[tilespmem:s11+$0xFFFFE460] =	vst v9  }
0xbc: {  	v13 =	vadd.s32 $0x800, v0;
	v11 =	vadd.s32 $0x2800, v59;
	[tilespmem:s11+$0xFFFFE870] =	vst v10  }
0xbd: {  	v44 =	vadd.s32 $0x2C00, v59;
	[tilespmem:$0x1FE90] =	vst v11  }
0xbe: {  	v8 =	vld.idx.msk [tilespmem:v36+s2+$0x0], $0xffff;
	v36 =	vadd.s32 $0x2400, v5;
	[tilespmem:$0x1FEF0] =	vst v44  }
0xbf: {  	v37 =	vadd.s32 $0x800, v5;
	v44 =	vadd.s32 $0x3000, v2;
	[tilespmem:$0x1FE10] =	vst v36  }
0xc0: {  	v38 =	vadd.s32 $0x800, v3;
	v36 =	vadd.s32 $0x2400, v3;
	[tilespmem:$0x1FF20] =	vst v44  }
0xc1: {  	v39 =	vadd.s32 $0x800, v4;
	v13 =	vld.idx.msk [tilespmem:v13+s2+$0x0], $0xffff;
	v44 =	vadd.s32 $0x3000, v4;
	[tilespmem:$0x1FE20] =	vst v36  }
0xc2: {  	v14 =	vadd.s32 $0x800, v1;
	v36 =	vadd.s32 $0x2400, v59;
	[tilespmem:$0x1FF50] =	vst v44  }
0xc3: {  	v44 =	vadd.s32 $0x3000, v1;
	[tilespmem:$0x1FE30] =	vst v36  }
0xc4: {  	v37 =	vld.idx.msk [tilespmem:v37+s2+$0x0], $0xffff;
	v36 =	vadd.s32 $0x2400, v1;
	[tilespmem:$0x1FF70] =	vst v44  }
0xc5: {  	v12 =	vld.idx.msk [tilespmem:v38+s2+$0x0], $0xffff;
	[tilespmem:$0x1FE40] =	vst v36  }
0xc6: {  	v7 =	vadd.s32 $0xC00, v6;
	v39 =	vld.idx.msk [tilespmem:v39+s2+$0x0], $0xffff;
	v36 =	vadd.s32 $0x2800, v0;
	[tilespmem:s11+$0xFFFFE800] =	vst v13  }
0xc7: {  	v14 =	vld.idx.msk [tilespmem:v14+s2+$0x0], $0xffff;
	[tilespmem:$0x1FE50] =	vst v36  }
0xc8: {  	[tilespmem:s11+$0xFFFFE810] =	vst v8  }
0xc9: {  	[tilespmem:s11+$0xFFFFE820] =	vst v37  }
0xca: {  	[tilespmem:s11+$0xFFFFE830] =	vst v12  }
0xcb: {  	v11 =	vld.idx.msk [tilespmem:v7+s2+$0x0], $0xffff;
	[tilespmem:s11+$0xFFFFE840] =	vst v39  }
0xcc: {  	v36 =	vadd.s32 $0x2800, v2;
	[tilespmem:s11+$0xFFFFE860] =	vst v14  }
0xcd: {  	v8 =	vadd.s32 $0x2C00, v5;
	[tilespmem:$0x1FE60] =	vst v36  }
0xce: {  	v37 =	vadd.s32 $0x2C00, v4;
	[tilespmem:$0x1FEC0] =	vst v8  }
0xcf: {  	[tilespmem:$0x1FEE0] =	vst v37  }
0xd0: {  	v36 =	vadd.s32 $0x2800, v5;
	[tilespmem:s11+$0xFFFFEC70] =	vst v11  }
0xd1: {  	v8 =	vadd.s32 $0x2C00, v3;
	[tilespmem:$0x1FE70] =	vst v36  }
0xd2: {  	v19 =	vadd.s32 $0xC00, v5;
	v37 =	vadd.s32 $0x3000, v0;
	[tilespmem:$0x1FED0] =	vst v8  }
0xd3: {  	v21 =	vadd.s32 $0xC00, v3;
	v11 =	vadd.s32 $0x3400, v5;
	[tilespmem:$0x1FF10] =	vst v37  }
0xd4: {  	v24 =	vadd.s32 $0xC00, v1;
	v36 =	vadd.s32 $0x2C00, v1;
	[tilespmem:$0x1FFA0] =	vst v11  }
0xd5: {  	v15 =	vadd.s32 $0x800, v59;
	v37 =	vadd.s32 $0x3000, v3;
	[tilespmem:$0x1FF00] =	vst v36  }
0xd6: {  	v20 =	vadd.s32 $0xC00, v2;
	v11 =	vadd.s32 $0x3400, v3;
	[tilespmem:$0x1FF40] =	vst v37  }
0xd7: {  	v12 =	vld.idx.msk [tilespmem:v19+s2+$0x0], $0xffff;
	v36 =	vadd.s32 $0x3000, v5;
	[tilespmem:$0x1FFB0] =	vst v11  }
0xd8: {  	v19 =	vld.idx.msk [tilespmem:v21+s2+$0x0], $0xffff;
	v37 =	vadd.s32 $0x3400, v0;
	[tilespmem:$0x1FF30] =	vst v36  }
0xd9: {  	v16 =	vadd.s32 $0xC00, v0;
	v9 =	vadd.s32 $0x1000, v6;
	v44 =	vld.idx.msk [tilespmem:v24+s2+$0x0], $0xffff;
	v11 =	vadd.s32 $0x3400, v4;
	[tilespmem:$0x1FF80] =	vst v37  }
0xda: {  	v54 =	vadd.s32 $0x1000, v0;
	v56 =	vadd.s32 $0x1400, v0;
	v8 =	vld.idx.msk [tilespmem:v15+s2+$0x0], $0xffff;
	v36 =	vadd.s32 $0x3000, v59;
	[tilespmem:$0x1FFC0] =	vst v11  }
0xdb: {  	v57 =	vadd.s32 $0x1800, v0;
	v61 =	vadd.s32 $0x1C00, v0;
	v30 =	vadd.s32 $0x1000, v5;
	v15 =	vld.idx.msk [tilespmem:v20+s2+$0x0], $0xffff;
	[tilespmem:$0x1FF60] =	vst v36  }
0xdc: {  	v33 =	vadd.s32 $0xC00, v4;
	v28 =	vadd.s32 $0xC00, v59;
	v26 =	vadd.s32 $0x1000, v2;
	[tilespmem:s11+$0xFFFFEC20] =	vst v12  }
0xdd: {  	v62 =	vadd.s32 $0x1C00, v5;
	v23 =	vadd.s32 $0x1400, v5;
	v53 =	vadd.s32 $0x2000, v5;
	[tilespmem:s11+$0xFFFFEC30] =	vst v19  }
0xde: {  	v29 =	vadd.s32 $0x1800, v5;
	v46 =	vadd.s32 $0x2000, v0;
	v7 =	vadd.s32 $0x2C00, v0;
	v9 =	vld.idx.msk [tilespmem:v9+s2+$0x0], $0xffff;
	[tilespmem:s11+$0xFFFFEC60] =	vst v44  }
0xdf: {  	v13 =	vadd.s32 $0x1400, v6;
	v21 =	vadd.s32 $0x3800, v0;
	v20 =	vadd.s32 $0x3C00, v0;
	v11 =	vld.idx.msk [tilespmem:v16+s2+$0x0], $0xffff;
	[tilespmem:s11+$0xFFFFE850] =	vst v8  }
0xe0: {  	v0 =	vadd.s32 $0x3C00, v5;
	v37 =	vadd.s32 $0x3800, v5;
	v8 =	vadd.s32 $0x3400, v59;
	[tilespmem:s11+$0xFFFFEC10] =	vst v15;
	v5 =	vld.idx.msk [tilespmem:v30+s2+$0x0], $0xffff  }
0xe1: {  	v35 =	vadd.s32 $0x1000, v1;
	[tilespmem:$0x1FFD0] =	vst v8;
	v8 =	vadd.s32 $0x3400, v1;
	v36 =	vld.idx.msk [tilespmem:v28+s2+$0x0], $0xffff  }
0xe2: {  	v34 =	vadd.s32 $0x1000, v3;
	[tilespmem:$0x1FFE0] =	vst v8;
	v8 =	vld.idx.msk [tilespmem:v33+s2+$0x0], $0xffff  }
0xe3: {  	v18 =	vadd.s32 $0x1000, v59;
	[tilespmem:s11+$0xFFFFF070] =	vst v9;
	v15 =	vld.idx.msk [tilespmem:v26+s2+$0x0], $0xffff  }
0xe4: {  	v17 =	vadd.s32 $0x1400, v2;
	v9 =	vld.idx.msk [tilespmem:v13+s2+$0x0], $0xffff;
	[tilespmem:s11+$0xFFFFEC00] =	vst v11  }
0xe5: {  	v52 =	vadd.s32 $0x1000, v4;
	v63 =	vadd.s32 $0x1C00, v4;
	v11 =	vld.idx.msk [tilespmem:v54+s2+$0x0], $0xffff;
	[tilespmem:s11+$0xFFFFF020] =	vst v5  }
0xe6: {  	v25 =	vadd.s32 $0x1400, v4;
	v27 =	vadd.s32 $0x1400, v59;
	v54 =	vadd.s32 $0x1800, v6;
	v5 =	vld.idx.msk [tilespmem:v35+s2+$0x0], $0xffff;
	[tilespmem:s11+$0xFFFFEC50] =	vst v36  }
0xe7: {  	v41 =	vadd.s32 $0x1800, v4;
	v22 =	vadd.s32 $0x1400, v1;
	v32 =	vadd.s32 $0x1800, v59;
	[tilespmem:s11+$0xFFFFEC40] =	vst v8;
	v8 =	vld.idx.msk [tilespmem:v34+s2+$0x0], $0xffff  }
0xe8: {  	v40 =	vadd.s32 $0x1C00, v59;
	v42 =	vadd.s32 $0x2000, v59;
	v33 =	vadd.s32 $0x3800, v3;
	[tilespmem:s11+$0xFFFFF010] =	vst v15;
	v18 =	vld.idx.msk [tilespmem:v18+s2+$0x0], $0xffff  }
0xe9: {  	v50 =	vadd.s32 $0x2000, v4;
	v38 =	vadd.s32 $0x2400, v4;
	v19 =	vadd.s32 $0x3C00, v4;
	[tilespmem:$0x1FFF0] =	vst v33;
	v15 =	vld.idx.msk [tilespmem:v17+s2+$0x0], $0xffff  }
0xea: {  	v28 =	vadd.s32 $0x3800, v59;
	v33 =	vadd.s32 $0x3800, v4;
	v4 =	vadd.s32 $0x3C00, v59;
	[tilespmem:s11+$0xFFFFF470] =	vst v9;
	v59 =	vld.idx.msk [tilespmem:v52+s2+$0x0], $0xffff  }
0xeb: {  	v9 =	vld.idx.msk [tilespmem:v54+s2+$0x0], $0xffff  }
0xec: {  	v55 =	vadd.s32 $0x1400, v3;
	[tilespmem:s11+$0xFFFFF000] =	vst v11;
	v52 =	vld [tilespmem:$0x1FE00]  }
0xed: {  	v11 =	vld.idx.msk [tilespmem:v56+s2+$0x0], $0xffff  }
0xee: {  	v56 =	vld [tilespmem:$0x1FE50];
	[tilespmem:s11+$0xFFFFF060] =	vst v5  }
0xef: {  	v26 =	vld.idx.msk [tilespmem:v22+s2+$0x0], $0xffff  }
0xf0: {  	[tilespmem:s11+$0xFFFFF030] =	vst v8;
	v8 =	vld.idx.msk [tilespmem:v23+s2+$0x0], $0xffff  }
0xf1: {  	[tilespmem:s11+$0xFFFFF050] =	vst v18;
	v24 =	vld.idx.msk [tilespmem:v55+s2+$0x0], $0xffff  }
0xf2: {  	v5 =	vld.idx.msk [tilespmem:v27+s2+$0x0], $0xffff  }
0xf3: {  	[tilespmem:$0x1FEA0] =	vst v7;
	v23 =	vadd.s32 $0x1C00, v6;
	v55 =	vld [tilespmem:$0x1FE30]  }
0xf4: {  	v58 =	vadd.s32 $0x1800, v2;
	[tilespmem:s11+$0xFFFFF040] =	vst v59;
	v59 =	vld [tilespmem:$0x1FEA0]  }
0xf5: {  	v25 =	vld.idx.msk [tilespmem:v25+s2+$0x0], $0xffff;
	[tilespmem:s11+$0xFFFFF400] =	vst v11  }
0xf6: {  	v11 =	vld.idx.msk [tilespmem:v57+s2+$0x0], $0xffff  }
0xf7: {  	v31 =	vadd.s32 $0x1800, v3;
	[tilespmem:s11+$0xFFFFF870] =	vst v9;
	v57 =	vld [tilespmem:$0x1FE60]  }
0xf8: {  	[tilespmem:s11+$0xFFFFF410] =	vst v15;
	v9 =	vld.idx.msk [tilespmem:v23+s2+$0x0], $0xffff  }
0xf9: {  	[tilespmem:s11+$0xFFFFF420] =	vst v8;
	v8 =	vld.idx.msk [tilespmem:v58+s2+$0x0], $0xffff  }
0xfa: {  	v58 =	vld [tilespmem:$0x1FE80]  }
0xfb: {  	[tilespmem:s11+$0xFFFFF430] =	vst v24;
	v30 =	vld.idx.msk [tilespmem:v29+s2+$0x0], $0xffff  }
0xfc: {  	v43 =	vadd.s32 $0x1800, v1;
	[tilespmem:s11+$0xFFFFF450] =	vst v5;
	v34 =	vld.idx.msk [tilespmem:v31+s2+$0x0], $0xffff  }
0xfd: {  	v27 =	vadd.s32 $0x2000, v6;
	[tilespmem:s11+$0xFFFFF440] =	vst v25;
	v35 =	vld.idx.msk [tilespmem:v32+s2+$0x0], $0xffff  }
0xfe: {  	v45 =	vadd.s32 $0x1C00, v2;
	v5 =	vld.idx.msk [tilespmem:v41+s2+$0x0], $0xffff;
	[tilespmem:s11+$0xFFFFF800] =	vst v11  }
0xff: {  	[tilespmem:s11+$0xFFFFF460] =	vst v26;
	v11 =	vld.idx.msk [tilespmem:v61+s2+$0x0], $0xffff  }
0x100: {  	v61 =	vld [tilespmem:$0x1FF00];
	[tilespmem:s11+$0xFFFFFC70] =	vst v9  }
0x101: {  	v60 =	vadd.s32 $0x1C00, v3;
	[tilespmem:s11+$0xFFFFF810] =	vst v8;
	v8 =	vld.idx.msk [tilespmem:v43+s2+$0x0], $0xffff  }
0x102: {  	v9 =	vld.idx.msk [tilespmem:v27+s2+$0x0], $0xffff  }
0x103: {  	[tilespmem:s11+$0xFFFFF820] =	vst v30;
	v41 =	vld.idx.msk [tilespmem:v45+s2+$0x0], $0xffff  }
0x104: {  	v43 =	vld.idx.msk [tilespmem:v62+s2+$0x0], $0xffff  }
0x105: {  	[tilespmem:s11+$0xFFFFF830] =	vst v34;
	v62 =	vld [tilespmem:$0x1FF60]  }
0x106: {  	[tilespmem:s11+$0xFFFFF840] =	vst v5;
	v5 =	vld.idx.msk [tilespmem:v60+s2+$0x0], $0xffff  }
0x107: {  	v47 =	vadd.s32 $0x2000, v2;
	v60 =	vld [tilespmem:$0x1FED0]  }
0x108: {  	[tilespmem:s11+$0xFFFFF850] =	vst v35;
	v44 =	vld.idx.msk [tilespmem:v63+s2+$0x0], $0xffff  }
0x109: {  	v36 =	vadd.s32 $0x2400, v6;
	[tilespmem:s11+$0xFFFFFC00] =	vst v11;
	v11 =	vld [tilespmem:$0x1FDF0]  }
0x10a: {  	v46 =	vld.idx.msk [tilespmem:v46+s2+$0x0], $0xffff;
	[tilespmem:s11+$0x70] =	vst v9  }
0x10b: {  	v9 =	vld.idx.msk [tilespmem:v40+s2+$0x0], $0xffff;
	[tilespmem:s11+$0xFFFFFC10] =	vst v41  }
0x10c: {  	v48 =	vadd.s32 $0x2000, v3;
	[tilespmem:s11+$0xFFFFFC20] =	vst v43;
	v47 =	vld.idx.msk [tilespmem:v47+s2+$0x0], $0xffff  }
0x10d: {  	v49 =	vadd.s32 $0x2400, v2;
	[tilespmem:s11+$0xFFFFFC30] =	vst v5;
	v5 =	vld.idx.msk [tilespmem:v53+s2+$0x0], $0xffff  }
0x10e: {  	[tilespmem:s11+$0xFFFFF860] =	vst v8;
	v8 =	vld.idx.msk [tilespmem:v36+s2+$0x0], $0xffff  }
0x10f: {  	v53 =	vld [tilespmem:$0x1FE10];
	[tilespmem:s11+$0xFFFFFC40] =	vst v44  }
0x110: {  	[tilespmem:s11+$0xFFFFFC50] =	vst v9;
	v9 =	vld.idx.msk [tilespmem:v50+s2+$0x0], $0xffff  }
0x111: {  	v45 =	vadd.s32 $0x2800, v6;
	v48 =	vld.idx.msk [tilespmem:v48+s2+$0x0], $0xffff;
	[tilespmem:s11+$0x10] =	vst v47  }
0x112: {  	[tilespmem:s11+$0x20] =	vst v5;
	v5 =	vld.idx.msk [tilespmem:v49+s2+$0x0], $0xffff  }
0x113: {  	[tilespmem:s11+$0x0] =	vst v46;
	v11 =	vld.idx.msk [tilespmem:v11+s2+$0x0], $0xffff  }
0x114: {  	v51 =	vadd.s32 $0x2000, v1;
	v14 =	vld.idx.msk [tilespmem:v52+s2+$0x0], $0xffff;
	[tilespmem:s11+$0x470] =	vst v8  }
0x115: {  	[tilespmem:s11+$0x40] =	vst v9;
	v9 =	vld [tilespmem:$0x1FE20]  }
0x116: {  	v8 =	vld.idx.msk [tilespmem:v45+s2+$0x0], $0xffff  }
0x117: {  	v50 =	vadd.s32 $0x2C00, v6;
	[tilespmem:s11+$0x410] =	vst v5;
	v5 =	vld [tilespmem:$0x1FE40]  }
0x118: {  	[tilespmem:s11+$0xFFFFFC60] =	vst v11;
	v11 =	vld.idx.msk [tilespmem:v42+s2+$0x0], $0xffff  }
0x119: {  	v51 =	vld.idx.msk [tilespmem:v51+s2+$0x0], $0xffff  }
0x11a: {  	v15 =	vld.idx.msk [tilespmem:v53+s2+$0x0], $0xffff;
	[tilespmem:s11+$0x400] =	vst v14  }
0x11b: {  	v14 =	vld.idx.msk [tilespmem:v56+s2+$0x0], $0xffff;
	[tilespmem:s11+$0x870] =	vst v8  }
0x11c: {  	[tilespmem:s11+$0x30] =	vst v48;
	v8 =	vld.idx.msk [tilespmem:v50+s2+$0x0], $0xffff  }
0x11d: {  	[tilespmem:s11+$0x50] =	vst v11;
	v9 =	vld.idx.msk [tilespmem:v9+s2+$0x0], $0xffff  }
0x11e: {  	v7 =	vadd.s32 $0x2C00, v2;
	v54 =	vadd.s32 $0x3000, v6;
	v11 =	vld.idx.msk [tilespmem:v38+s2+$0x0], $0xffff;
	[tilespmem:s11+$0x60] =	vst v51  }
0x11f: {  	[tilespmem:$0x1FEB0] =	vst v7;
	v5 =	vld.idx.msk [tilespmem:v5+s2+$0x0], $0xffff  }
0x120: {  	[tilespmem:s11+$0x420] =	vst v15;
	v15 =	vld.idx.msk [tilespmem:v57+s2+$0x0], $0xffff  }
0x121: {  	v7 =	vadd.s32 $0x2800, v1;
	v13 =	vld.idx.msk [tilespmem:v55+s2+$0x0], $0xffff;
	[tilespmem:s11+$0xC70] =	vst v8  }
0x122: {  	[tilespmem:s11+$0x430] =	vst v9;
	v9 =	vld [tilespmem:$0x1FE70]  }
0x123: {  	v10 =	vadd.s32 $0x2800, v3;
	v8 =	vld.idx.msk [tilespmem:v54+s2+$0x0], $0xffff;
	[tilespmem:s11+$0x440] =	vst v11  }
0x124: {  	v11 =	vadd.s32 $0x3400, v6;
	[tilespmem:s11+$0x460] =	vst v5;
	v5 =	vld [tilespmem:$0x1FE90]  }
0x125: {  	v12 =	vld.idx.msk [tilespmem:v58+s2+$0x0], $0xffff  }
0x126: {  	[tilespmem:s11+$0x800] =	vst v14;
	v7 =	vld.idx.msk [tilespmem:v7+s2+$0x0], $0xffff  }
0x127: {  	[tilespmem:s11+$0x450] =	vst v13;
	v13 =	vld.idx.msk [tilespmem:v59+s2+$0x0], $0xffff  }
0x128: {  	v10 =	vld.idx.msk [tilespmem:v10+s2+$0x0], $0xffff;
	[tilespmem:s11+$0x1070] =	vst v8  }
0x129: {  	v8 =	vld.idx.msk [tilespmem:v11+s2+$0x0], $0xffff  }
0x12a: {  	v9 =	vld.idx.msk [tilespmem:v9+s2+$0x0], $0xffff  }
0x12b: {  	v11 =	vadd.s32 $0x3800, v6;
	[tilespmem:s11+$0x860] =	vst v7;
	v7 =	vld [tilespmem:$0x1FEF0]  }
0x12c: {  	[tilespmem:s11+$0x840] =	vst v12;
	v5 =	vld.idx.msk [tilespmem:v5+s2+$0x0], $0xffff  }
0x12d: {  	[tilespmem:s11+$0x830] =	vst v10;
	v10 =	vld [tilespmem:$0x1FEC0]  }
0x12e: {  	v12 =	vld.idx.msk [tilespmem:v60+s2+$0x0], $0xffff;
	[tilespmem:s11+$0x1470] =	vst v8  }
0x12f: {  	[tilespmem:s11+$0x820] =	vst v9;
	v9 =	vld [tilespmem:$0x1FEB0]  }
0x130: {  	v8 =	vld.idx.msk [tilespmem:v11+s2+$0x0], $0xffff  }
0x131: {  	[tilespmem:s11+$0x850] =	vst v5;
	v5 =	vld [tilespmem:$0x1FEE0]  }
0x132: {  	[tilespmem:s11+$0xC00] =	vst v13;
	v13 =	vld.idx.msk [tilespmem:v61+s2+$0x0], $0xffff  }
0x133: {  	v7 =	vld.idx.msk [tilespmem:v7+s2+$0x0], $0xffff  }
0x134: {  	v11 =	vld [tilespmem:$0x1FF30]  }
0x135: {  	[tilespmem:s11+$0x810] =	vst v15;
	v6 =	vadd.s32 $0x3C00, v6;
	v10 =	vld.idx.msk [tilespmem:v10+s2+$0x0], $0xffff  }
0x136: {  	[tilespmem:s11+$0x1870] =	vst v8;
	v8 =	vld [tilespmem:$0x1FF70]  }
0x137: {  	v9 =	vld.idx.msk [tilespmem:v9+s2+$0x0], $0xffff  }
0x138: {  	[tilespmem:s11+$0xC50] =	vst v7;
	v7 =	vld [tilespmem:$0x1FF50]  }
0x139: {  	v5 =	vld.idx.msk [tilespmem:v5+s2+$0x0], $0xffff  }
0x13a: {  	v6 =	vld.idx.msk [tilespmem:v6+s2+$0x0], $0xffff  }
0x13b: {  	[tilespmem:s11+$0xC20] =	vst v10;
	v10 =	vld [tilespmem:$0x1FF20]  }
0x13c: {  	[tilespmem:s11+$0xC10] =	vst v9;
	v9 =	vld [tilespmem:$0x1FF10]  }
0x13d: {  	v11 =	vld.idx.msk [tilespmem:v11+s2+$0x0], $0xffff  }
0x13e: {  	[tilespmem:s11+$0xC40] =	vst v5;
	v5 =	vld [tilespmem:$0x1FF40]  }
0x13f: {  	[tilespmem:s11+$0x1C70] =	vst v6;
	v6 =	vld [tilespmem:$0x1FFD0]  }
0x140: {  	[tilespmem:s11+$0xC30] =	vst v12;
	v7 =	vld.idx.msk [tilespmem:v7+s2+$0x0], $0xffff  }
0x141: {  	[tilespmem:s11+$0xC60] =	vst v13;
	v12 =	vld.idx.msk [tilespmem:v62+s2+$0x0], $0xffff  }
0x142: {  	v8 =	vld.idx.msk [tilespmem:v8+s2+$0x0], $0xffff  }
0x143: {  	v10 =	vld.idx.msk [tilespmem:v10+s2+$0x0], $0xffff  }
0x144: {  	v9 =	vld.idx.msk [tilespmem:v9+s2+$0x0], $0xffff  }
0x145: {  	v39 =	vadd.s32 $0x3400, v2;
	[tilespmem:s11+$0x1040] =	vst v7;
	v7 =	vld [tilespmem:$0x1FFB0]  }
0x146: {  	[tilespmem:$0x1FF90] =	vst v39;
	v5 =	vld.idx.msk [tilespmem:v5+s2+$0x0], $0xffff  }
0x147: {  	[tilespmem:s11+$0x1020] =	vst v11;
	v11 =	vld [tilespmem:$0x1FFC0]  }
0x148: {  	[tilespmem:s11+$0x1010] =	vst v10;
	v10 =	vld [tilespmem:$0x1FF90]  }
0x149: {  	[tilespmem:s11+$0x1000] =	vst v9;
	v9 =	vld [tilespmem:$0x1FF80];
	_ =	sdelay $0x1  }
0x14a: {  	[tilespmem:s11+$0x1030] =	vst v5;
	v5 =	vld [tilespmem:$0x1FFA0]  }
0x14b: {  	[tilespmem:s11+$0x1060] =	vst v8;
	v8 =	vld [tilespmem:$0x1FFE0]  }
0x14c: {  	[tilespmem:s11+$0x1050] =	vst v12;
	v7 =	vld.idx.msk [tilespmem:v7+s2+$0x0], $0xffff  }
0x14d: {  	v6 =	vld.idx.msk [tilespmem:v6+s2+$0x0], $0xffff  }
0x14e: {  	v11 =	vld.idx.msk [tilespmem:v11+s2+$0x0], $0xffff  }
0x14f: {  	v10 =	vld.idx.msk [tilespmem:v10+s2+$0x0], $0xffff  }
0x150: {  	v9 =	vld.idx.msk [tilespmem:v9+s2+$0x0], $0xffff  }
0x151: {  	[tilespmem:s11+$0x1430] =	vst v7;
	v7 =	vld [tilespmem:$0x1FFF0]  }
0x152: {  	v39 =	vadd.s32 $0x3800, v2;
	[tilespmem:s11+$0x1450] =	vst v6;
	v5 =	vld.idx.msk [tilespmem:v5+s2+$0x0], $0xffff  }
0x153: {  	v6 =	vld.idx.msk [tilespmem:v28+s2+$0x0], $0xffff  }
0x154: {  	v8 =	vld.idx.msk [tilespmem:v8+s2+$0x0], $0xffff;
	[tilespmem:s11+$0x1440] =	vst v11  }
0x155: {  	v11 =	vld.idx.msk [tilespmem:v33+s2+$0x0], $0xffff;
	[tilespmem:s11+$0x1400] =	vst v9  }
0x156: {  	v16 =	vadd.s32 $0x3C00, v2;
	v2 =	vadd.s32 $0x3800, v1;
	[tilespmem:s11+$0x1410] =	vst v10;
	v9 =	vld.idx.msk [tilespmem:v21+s2+$0x0], $0xffff  }
0x157: {  	v10 =	vld.idx.msk [tilespmem:v39+s2+$0x0], $0xffff;
	[tilespmem:s11+$0x1420] =	vst v5  }
0x158: {  	[tilespmem:s11+$0x1850] =	vst v6;
	v5 =	vld.idx.msk [tilespmem:v37+s2+$0x0], $0xffff  }
0x159: {  	[tilespmem:s11+$0x1460] =	vst v8;
	v7 =	vld.idx.msk [tilespmem:v7+s2+$0x0], $0xffff  }
0x15a: {  	v8 =	vld.idx.msk [tilespmem:v4+s2+$0x0], $0xffff;
	[tilespmem:s11+$0x1840] =	vst v11  }
0x15b: {  	s12 =	sadd.s32 $0x8, s12;
	v3 =	vadd.s32 $0x3C00, v3;
	[tilespmem:s11+$0x1800] =	vst v9;
	v9 =	vld.idx.msk [tilespmem:v2+s2+$0x0], $0xffff  }
0x15c: {  	p0 =	slt.u32 s12, $0x38;
	v1 =	vadd.s32 $0x3C00, v1;
	[tilespmem:s11+$0x1810] =	vst v10;
	v63 =	vld.idx.msk [tilespmem:v20+s2+$0x0], $0xffff  }
.Ltmp0:
0x15d: {  	v2 =	vld.idx.msk [tilespmem:v16+s2+$0x0], $0xffff;
	[tilespmem:s11+$0x1820] =	vst v5;
	(pc) =	sbr.rel @p0 .LBB2_2-.Ltmp0, $4  }
0x15e: {  	[tilespmem:s11+$0x1830] =	vst v7;
	v7 =	vld.idx.msk [tilespmem:v19+s2+$0x0], $0xffff  }
0x15f: {  	v0 =	vld.idx.msk [tilespmem:v0+s2+$0x0], $0xffff  }
0x160: {  	v3 =	vld.idx.msk [tilespmem:v3+s2+$0x0], $0xffff;
	[tilespmem:s11+$0x1860] =	vst v9  }
0x161: {  	s13 =	sadd.s32 $0x80, s13;
	[tilespmem:s11+$0x1C00] =	vst v63;
	v1 =	vld.idx.msk [tilespmem:v1+s2+$0x0], $0xffff  }
0x162: {  	[tilespmem:s11+$0x1C10] =	vst v2  }
0x163: {  	[tilespmem:s11+$0x1C50] =	vst v8  }
0x164: {  	[tilespmem:s11+$0x1C40] =	vst v7  }
0x165: {  	s10 =	sadd.s32 $0x1, s10;
	[tilespmem:s11+$0x1C20] =	vst v0  }
0x166: {  	p0 =	sne.s32 s10, s6;
	[tilespmem:s11+$0x1C30] =	vst v3  }
.Ltmp1:
0x167: {  	[tilespmem:s11+$0x1C60] =	vst v1;
	(pc) =	sbr.rel @p0 .LBB2_1-.Ltmp1, $4  }
0x168: {  	[hbm4b:s5+s2] =	stream.linear.scatter [tilespmem:s9], [sflag:$0x1], $0x4000, $0x38;
	[tilespmem:$0x8400] =	vst v63  }
0x169: {  	_ =	swait.ge [sflag:s8], $0x4000  }
0x16a: {  	[sflag:s8] =	ssyncset.done $0x0  }
0x16b: {  	[sflag:s8] =	ssyncadd.s32 $0xFFFFC000  }
0x16c: {  	_ =	sfence.sel $0x180000  }
0x16d: {  	[bflag:$0x0] =	sbarrier.arrive $0xFFFF  }
0x16e: {  	p0 =	sne.s32 s1, $0x0;
	_ =	strace $0x9000004A  }
0x16f: {  	s0 =	sadd.s32 @!p0 $0x100000, s0;
	[bflag:$0x2] =	sbarrier.arrive $0xFFFF  }
0x170: {  	[sflag:s0] =	ssyncadd.tile.s32 @!p0 $0x1;
	_ =	shalt  }
.Lfunc_end2:
_tile_overlayer_lowered:
.L_overlay_start_2:
0x171: {  	(tag) =	ssettag $0x2  }
0x172: {  	s0 =	rddreg [dreg:$0x0];
	s2 =	stileid.u32  }
0x173: {  	s1 =	rddreg [dreg:$0x1];
	p0 =	sne.s32 s2, $0x0  }
0x174: {  	s3 =	rddreg [dreg:$0x2];
	[bflag:$0x3] =	sbarrier.arrive $0xFFFF;
	s2 =	simm.s32 @!p0 $0x1C01  }
0x175: {  	[timem:s3], [sflag:s2] =	dma.local @!p0 [hbm:s0], s1  }
0x176: {  	s0 =	simm.s32 @!p0 $0x1  }
0x177: {  	_ =	swait.ge @!p0 [sflag:s0], s1  }
0x178: {  	s1 =	ssub.s32 @!p0 $0x0, s1;
	[sflag:s0] =	ssyncset.done @!p0 $0x0  }
0x179: {  	[sflag:s0] =	ssyncadd.s32 @!p0 s1  }
0x17a: {  	[bflag:$0x3] =	sbarrier.arrive $0xFFFF  }
0x17b: {  	_ =	shalt  }

</sc_bundles>
